<compile_context>
chip_gen: v7x
topology: tpu7x:2x2x1
jax: 0.10.2.dev20260603
libtpu: 0.0.44.dev20260713+nightly
codegen_flags: <defaults>
</compile_context>

<pallas_src>
import functools

import jax
import jax.numpy as jnp
from jax import lax
from jax.experimental import pallas as pl
from jax.experimental.pallas import tpu as pltpu
from jax.experimental.pallas import tpu_sc as plsc

DIM = 1024
NUM_EXPERTS = 8
TOP_K = 2
TOKENS = 4096
TILE = 512
NUM_TILES = 23
NUM_SLOTS = NUM_TILES * TILE
SLOTS = TOKENS * TOP_K
NUM_WORKERS = 32
SLOTS_PER_WORKER = SLOTS // NUM_WORKERS
CHUNK = 64
EPS = 1e-6
OUT_TM = 512


def _lane_cumsum(a):
    n = a.shape[-1]
    d = 1
    while d < n:
        shifted = jnp.concatenate(
            [jnp.zeros(a.shape[:-1] + (d,), a.dtype), a[..., :-d]], axis=-1)
        a = a + shifted
        d *= 2
    return a


def _routing_body(x_ref, wr_ref, br_ref, pos_ref, w_ref, te_ref, xp_ref):
    x = x_ref[...]
    xb = x.astype(jnp.bfloat16).astype(jnp.float32)
    xp_ref[...] = pltpu.pack_elementwise(
        [xb[:, :DIM // 2], xb[:, DIM // 2:]], packed_dtype=jnp.bfloat16)
    lt = lax.dot_general(wr_ref[...].astype(jnp.bfloat16),
                         x.astype(jnp.bfloat16), (((1,), (1,)), ((), ())),
                         preferred_element_type=jnp.float32)
    lt = lt + br_ref[...]
    riota = lax.broadcasted_iota(jnp.int32, lt.shape, 0)
    m1 = jnp.max(lt, axis=0, keepdims=True)
    i1 = jnp.min(jnp.where(lt == m1, riota, NUM_EXPERTS), axis=0,
                 keepdims=True)
    sel1 = riota == i1
    lt2 = jnp.where(sel1, -1e30, lt)
    m2 = jnp.max(lt2, axis=0, keepdims=True)
    i2 = jnp.min(jnp.where(lt2 == m2, riota, NUM_EXPERTS), axis=0,
                 keepdims=True)
    sel2 = riota == i2
    w1 = jax.nn.sigmoid(m1 - m2)
    w_ref[...] = jnp.concatenate([w1, 1.0 - w1], axis=0)
    a1 = sel1.astype(jnp.int32)
    a2 = sel2.astype(jnp.int32)
    c1 = _lane_cumsum(a1)
    c2 = _lane_cumsum(a2)
    tot1 = c1[:, TOKENS - 1:]
    counts = tot1 + c2[:, TOKENS - 1:]
    ntiles = (counts + (TILE - 1)) >> 9
    inc = ntiles
    for d in (1, 2, 4):
        inc = inc + jnp.concatenate(
            [jnp.zeros((d, 1), jnp.int32), inc[:-d]], axis=0)
    toff = inc - ntiles
    base = toff * TILE
    p0 = base + (c1 - a1)
    p1 = base + tot1 + (c2 - a2)
    pos0 = jnp.sum(a1 * p0, axis=0, keepdims=True)
    pos1 = jnp.sum(a2 * p1, axis=0, keepdims=True)
    pos_ref[...] = jnp.concatenate([pos0, pos1], axis=0)
    jiota = lax.broadcasted_iota(jnp.int32, (NUM_EXPERTS, 128), 1)
    te = jnp.sum((jiota >= toff).astype(jnp.int32), axis=0, keepdims=True) - 1
    li = lax.broadcasted_iota(jnp.int32, (1, 128), 1)
    total_tiles = inc[NUM_EXPERTS - 1:, :]
    te_ref[...] = jnp.where(li == 127, total_tiles, te)


def _routing(x2d, Wr, br):
    return pl.pallas_call(
        _routing_body,
        out_shape=(
            jax.ShapeDtypeStruct((TOP_K, TOKENS), jnp.int32),
            jax.ShapeDtypeStruct((TOP_K, TOKENS), jnp.float32),
            jax.ShapeDtypeStruct((1, 128), jnp.int32),
            jax.ShapeDtypeStruct((TOKENS, DIM // 2), jnp.int32),
        ),
    )(x2d, Wr, br.reshape(NUM_EXPERTS, 1))


@functools.cache
def _sc_kernels():
    mesh = plsc.VectorSubcoreMesh(core_axis_name="c", subcore_axis_name="s")
    n_chunks = SLOTS_PER_WORKER // CHUNK
    scratch = [
        pltpu.VMEM((n_chunks, CHUNK), jnp.int32),
        pltpu.VMEM((CHUNK, DIM // 2), jnp.int32),
        pltpu.VMEM((CHUNK, DIM // 2), jnp.int32),
        pltpu.SemaphoreType.DMA,
        pltpu.SemaphoreType.DMA,
    ]

    @functools.partial(
        pl.kernel,
        out_type=jax.ShapeDtypeStruct((NUM_SLOTS, DIM // 2), jnp.int32),
        mesh=mesh,
        scratch_types=scratch,
    )
    def sc_dispatch(x_hbm, pos_hbm, xg_hbm, pos_v, buf_a, buf_b, s_ld, s_st):
        wid = lax.axis_index("s") * 2 + lax.axis_index("c")
        pltpu.sync_copy(pos_hbm.at[wid], pos_v)
        t0 = lax.rem(wid * SLOTS_PER_WORKER, TOKENS)
        bufs = (buf_a, buf_b)
        lds = [None] * n_chunks
        sts = [None] * n_chunks
        lds[0] = pltpu.make_async_copy(
            x_hbm.at[pl.ds(t0, CHUNK)], bufs[0], s_ld)
        lds[0].start()
        for c in range(n_chunks):
            cur = bufs[c % 2]
            lds[c].wait()
            if c + 1 < n_chunks:
                if c >= 1:
                    sts[c - 1].wait()
                lds[c + 1] = pltpu.make_async_copy(
                    x_hbm.at[pl.ds(t0 + (c + 1) * CHUNK, CHUNK)],
                    bufs[(c + 1) % 2], s_ld)
                lds[c + 1].start()
            sts[c] = pltpu.make_async_copy(cur, xg_hbm.at[pos_v.at[c]], s_st)
            sts[c].start()
        sts[n_chunks - 2].wait()
        sts[n_chunks - 1].wait()

    @functools.partial(
        pl.kernel,
        out_type=jax.ShapeDtypeStruct((SLOTS, DIM // 2), jnp.int32),
        mesh=mesh,
        scratch_types=scratch,
    )
    def sc_combine(yg_hbm, pos_hbm, gc_hbm, pos_v, buf_a, buf_b, s_ld, s_st):
        wid = lax.axis_index("s") * 2 + lax.axis_index("c")
        pltpu.sync_copy(pos_hbm.at[wid], pos_v)
        s0 = wid * SLOTS_PER_WORKER
        bufs = (buf_a, buf_b)
        lds = [None] * n_chunks
        sts = [None] * n_chunks
        lds[0] = pltpu.make_async_copy(
            yg_hbm.at[pos_v.at[0]], bufs[0], s_ld)
        lds[0].start()
        for c in range(n_chunks):
            cur = bufs[c % 2]
            lds[c].wait()
            if c + 1 < n_chunks:
                if c >= 1:
                    sts[c - 1].wait()
                lds[c + 1] = pltpu.make_async_copy(
                    yg_hbm.at[pos_v.at[c + 1]], bufs[(c + 1) % 2], s_ld)
                lds[c + 1].start()
            sts[c] = pltpu.make_async_copy(
                cur, gc_hbm.at[pl.ds(s0 + c * CHUNK, CHUNK)], s_st)
            sts[c].start()
        sts[n_chunks - 2].wait()
        sts[n_chunks - 1].wait()

    return sc_dispatch, sc_combine


def _sc_dispatch(x2d, pos_flat):
    return _sc_kernels()[0](x2d, pos_flat)


def _sc_combine(yg, pos_flat):
    return _sc_kernels()[1](yg, pos_flat)


def _expert_body(te_ref, xg_ref, we_ref, be_ref, yg_ref):
    @pl.when(pl.program_id(0) < te_ref[127])
    def _():
        _expert_compute(te_ref, xg_ref, we_ref, be_ref, yg_ref)


def _expert_compute(te_ref, xg_ref, we_ref, be_ref, yg_ref):
    xg = xg_ref[...]
    xlo = pltpu.unpack_elementwise(
        xg, index=0, packed_dtype=jnp.bfloat16, unpacked_dtype=jnp.float32)
    xhi = pltpu.unpack_elementwise(
        xg, index=1, packed_dtype=jnp.bfloat16, unpacked_dtype=jnp.float32)
    xb = jnp.concatenate([xlo, xhi], axis=1).astype(jnp.bfloat16)
    h = lax.dot_general(xb, we_ref[0], (((1,), (1,)), ((), ())),
                        preferred_element_type=jnp.float32)
    h = h + be_ref[0]
    yb = (h * (0.5 * jnp.tanh(0.5 * h) + 0.5))
    yb = yb.astype(jnp.bfloat16).astype(jnp.float32)
    yg_ref[...] = pltpu.pack_elementwise(
        [yb[:, :DIM // 2], yb[:, DIM // 2:]], packed_dtype=jnp.bfloat16)


def _expert_matmuls(te, xg, We, be):
    grid_spec = pltpu.PrefetchScalarGridSpec(
        num_scalar_prefetch=1,
        grid=(NUM_TILES,),
        in_specs=[
            pl.BlockSpec((TILE, DIM // 2), lambda j, te: (j, 0)),
            pl.BlockSpec((1, DIM, DIM), lambda j, te: (te[j], 0, 0)),
            pl.BlockSpec((1, 1, DIM), lambda j, te: (te[j], 0, 0)),
        ],
        out_specs=pl.BlockSpec((TILE, DIM // 2), lambda j, te: (j, 0)),
    )
    return pl.pallas_call(
        _expert_body,
        grid_spec=grid_spec,
        out_shape=jax.ShapeDtypeStruct((NUM_SLOTS, DIM // 2), jnp.int32),
    )(te, xg, We, be.reshape(NUM_EXPERTS, 1, DIM))


def _output_body(x_ref, gc_ref, wt_ref, wo_ref, bo_ref, g_ref, y_ref):
    def unpack(p):
        lo = pltpu.unpack_elementwise(
            p, index=0, packed_dtype=jnp.bfloat16, unpacked_dtype=jnp.float32)
        hi = pltpu.unpack_elementwise(
            p, index=1, packed_dtype=jnp.bfloat16, unpacked_dtype=jnp.float32)
        return jnp.concatenate([lo, hi], axis=1)
    comb = (unpack(gc_ref[0]) * wt_ref[:, 0:1]
            + unpack(gc_ref[1]) * wt_ref[:, 1:2])
    out = lax.dot_general(comb.astype(jnp.bfloat16), wo_ref[...],
                          (((1,), (1,)), ((), ())),
                          preferred_element_type=jnp.float32)
    out = out + bo_ref[...]
    res = x_ref[...] + out
    ms = jnp.mean(res * res, axis=1, keepdims=True)
    y_ref[...] = g_ref[...] * (res * lax.rsqrt(ms + EPS))


def _output(x2d, gc, wt, Wo, bo, g):
    return pl.pallas_call(
        _output_body,
        grid=(TOKENS // OUT_TM,),
        in_specs=[
            pl.BlockSpec((OUT_TM, DIM), lambda i: (i, 0)),
            pl.BlockSpec((TOP_K, OUT_TM, DIM // 2), lambda i: (0, i, 0)),
            pl.BlockSpec((OUT_TM, TOP_K), lambda i: (i, 0)),
            pl.BlockSpec((DIM, DIM), lambda i: (0, 0)),
            pl.BlockSpec((1, DIM), lambda i: (0, 0)),
            pl.BlockSpec((1, DIM), lambda i: (0, 0)),
        ],
        out_specs=pl.BlockSpec((OUT_TM, DIM), lambda i: (i, 0)),
        out_shape=jax.ShapeDtypeStruct((TOKENS, DIM), jnp.float32),
    )(x2d, gc, wt, Wo, bo.reshape(1, DIM), g.reshape(1, DIM))


def kernel(x, Wr, br, We, be, Wo, bo, g):
    x2d = x.reshape(TOKENS, DIM)
    pos, w, te, xp = _routing(x2d, Wr, br)
    pos_w = pos.reshape(NUM_WORKERS, SLOTS_PER_WORKER // CHUNK, CHUNK)
    te_flat = te.reshape(128)
    wt = w.T
    xg = _sc_dispatch(xp, pos_w)
    yg = _expert_matmuls(te_flat, xg, We.astype(jnp.bfloat16), be)
    gc = _sc_combine(yg, pos_w)
    y = _output(x2d, gc.reshape(TOP_K, TOKENS, DIM // 2), wt,
                Wo.astype(jnp.bfloat16), bo, g)
    return y.reshape(x.shape)

# --- scband reference (transcript-rebuilt; emitter-appended) ---
"""Pipeline reference for scband-enhanced-gated-fusion-41120016891972 (READ-ONLY COPY).

The authoritative reference and input builder live on the scoring server;
editing this copy changes nothing except your own understanding.
"""

import jax, jax.numpy as jnp
import numpy as np

DIM = 1024
NUM_EXPERTS = 8
TOP_K = 2
B, S = 2, 2048
EPS = 1e-06


def setup_inputs(seed: int = 0) -> dict:
    key = jax.random.key(seed)
    ks = jax.random.split(key, 8)
    x = jax.random.normal(ks[0], (B, S, DIM), dtype=jnp.float32)
    lim = 1.0 / np.sqrt(DIM)
    Wr = jax.random.uniform(ks[1], (NUM_EXPERTS, DIM), minval=-lim, maxval=lim, dtype=jnp.float32)
    br = jax.random.uniform(ks[2], (NUM_EXPERTS,), minval=-lim, maxval=lim, dtype=jnp.float32)
    We = jax.random.uniform(ks[3], (NUM_EXPERTS, DIM, DIM), minval=-lim, maxval=lim, dtype=jnp.float32)
    be = jax.random.uniform(ks[4], (NUM_EXPERTS, DIM), minval=-lim, maxval=lim, dtype=jnp.float32)
    Wo = jax.random.uniform(ks[5], (DIM, DIM), minval=-lim, maxval=lim, dtype=jnp.float32)
    bo = jax.random.uniform(ks[6], (DIM,), minval=-lim, maxval=lim, dtype=jnp.float32)
    g = jnp.ones((DIM,), dtype=jnp.float32)
    return {"x": x, "Wr": Wr, "br": br, "We": We, "be": be, "Wo": Wo, "bo": bo, "g": g}


def _silu(v):
    return v * jax.nn.sigmoid(v)


def reference(x, Wr, br, We, be, Wo, bo, g):
    batch_size, seq_len, dim = x.shape
    routing_logits = x @ Wr.T + br  # [B, S, E]
    topk_gate_logits, topk_indices = jax.lax.top_k(routing_logits, TOP_K)  # [B, S, K]
    topk_routing_weights = jax.nn.softmax(topk_gate_logits, axis=-1)
    x_flat = x.reshape(-1, dim)  # [T, D]
    combined_output = jnp.zeros_like(x)
    for k in range(TOP_K):
        expert_idx = topk_indices[:, :, k].reshape(-1)  # [T]
        expert_weight = topk_routing_weights[:, :, k].reshape(-1, 1)  # [T, 1]
        batched_output = jnp.zeros_like(x_flat)
        for expert_id in range(NUM_EXPERTS):
            expert_output = _silu(x_flat @ We[expert_id].T + be[expert_id])
            mask = (expert_idx == expert_id)[:, None]
            batched_output = jnp.where(mask, expert_output, batched_output)
        combined_output = combined_output + (batched_output * expert_weight).reshape(batch_size, seq_len, dim)
    output = combined_output @ Wo.T + bo
    res = x + output
    rms = jnp.sqrt(jnp.mean(res ** 2, axis=-1, keepdims=True) + EPS)
    return g * (res / rms)

if __name__ == "__main__":
    import jax
    _d = setup_inputs()
    print(jax.jit(kernel)(*tuple(_d.values())))

</pallas_src>

<mosaic_0001>
#map = affine_map<(d0, d1) -> (0, 0)>
#map1 = affine_map<(d0, d1) -> (0, 0, 0)>
module attributes {stable_mosaic.version = 14 : i64} {
  func.func @sc_combine(%arg0: i32, %arg1: i32, %arg2: memref<11776x512xi32, #tpu.memory_space<hbm>>, %arg3: memref<32x4x64xi32, #tpu.memory_space<hbm>>, %arg4: memref<8192x512xi32, #tpu.memory_space<hbm>>, %arg5: memref<4x64xi32, #tpu.memory_space<vmem>>, %arg6: memref<64x512xi32, #tpu.memory_space<vmem>>, %arg7: memref<64x512xi32, #tpu.memory_space<vmem>>, %arg8: memref<!tpu.dma_semaphore, #tpu.memory_space<semaphore_mem>>, %arg9: memref<!tpu.dma_semaphore, #tpu.memory_space<semaphore_mem>>) attributes {dimension_semantics = [#tpu.dimension_semantics<core_parallel>, #tpu.dimension_semantics<subcore_parallel>], iteration_bounds = array<i64: 2, 16>, scalar_prefetch = 0 : i64, scratch_operands = 5 : i64, tpu.core_type = #tpu.core_type<sc_vector_subcore>, window_params = [{transform_indices = #map}, {transform_indices = #map1}, {transform_indices = #map}]} {
    %mul3A = arith.constant 2 : i32
    %mul3A_0 = arith.muli %arg1, %mul3A : i32
    %add3A = arith.addi %mul3A_0, %arg0 : i32
    "tpu.region"() ({
      %run_scoped3A = tpu.sem_alloc : memref<!tpu.dma_semaphore, #tpu.memory_space<semaphore_mem>>
      %dma_start3A_97 = arith.constant 0 : i32
      %dma_start3A_98 = arith.constant 0 : i32
      %dma_start3A_99 = tpu.memref_slice %arg3[%add3A, %dma_start3A_97, %dma_start3A_98] : memref<32x4x64xi32, #tpu.memory_space<hbm>> -> memref<1x4x64xi32, #tpu.memory_space<hbm>>
      %dma_start3A_100 = tpu.memref_squeeze %dma_start3A_99 : memref<1x4x64xi32, #tpu.memory_space<hbm>> -> memref<4x64xi32, #tpu.memory_space<hbm>>
      %dma_start3A_101 = arith.constant 0 : i32
      %dma_start3A_102 = arith.constant 0 : i32
      %dma_start3A_103 = tpu.memref_slice %arg3[%add3A, %dma_start3A_101, %dma_start3A_102] : memref<32x4x64xi32, #tpu.memory_space<hbm>> -> memref<1x4x64xi32, #tpu.memory_space<hbm>>
      %dma_start3A_104 = tpu.memref_squeeze %dma_start3A_103 : memref<1x4x64xi32, #tpu.memory_space<hbm>> -> memref<4x64xi32, #tpu.memory_space<hbm>>
      tpu.enqueue_dma source(%dma_start3A_104 : memref<4x64xi32, #tpu.memory_space<hbm>>) target(%arg5 : memref<4x64xi32, #tpu.memory_space<vmem>>) target_semaphore(%run_scoped3A : memref<!tpu.dma_semaphore, #tpu.memory_space<semaphore_mem>>)
      %dma_wait3A_105 = arith.constant 0 : i32
      %dma_wait3A_106 = arith.constant 0 : i32
      %dma_wait3A_107 = tpu.memref_slice %arg3[%add3A, %dma_wait3A_105, %dma_wait3A_106] : memref<32x4x64xi32, #tpu.memory_space<hbm>> -> memref<1x4x64xi32, #tpu.memory_space<hbm>>
      %dma_wait3A_108 = tpu.memref_squeeze %dma_wait3A_107 : memref<1x4x64xi32, #tpu.memory_space<hbm>> -> memref<4x64xi32, #tpu.memory_space<hbm>>
      %dma_wait3A_109 = arith.constant 0 : i32
      %dma_wait3A_110 = arith.constant 0 : i32
      %dma_wait3A_111 = tpu.memref_slice %arg3[%add3A, %dma_wait3A_109, %dma_wait3A_110] : memref<32x4x64xi32, #tpu.memory_space<hbm>> -> memref<1x4x64xi32, #tpu.memory_space<hbm>>
      %dma_wait3A_112 = tpu.memref_squeeze %dma_wait3A_111 : memref<1x4x64xi32, #tpu.memory_space<hbm>> -> memref<4x64xi32, #tpu.memory_space<hbm>>
      tpu.wait_dma2 semaphore(%run_scoped3A : memref<!tpu.dma_semaphore, #tpu.memory_space<semaphore_mem>>) src(%dma_wait3A_112 : memref<4x64xi32, #tpu.memory_space<hbm>>) dst(%arg5 : memref<4x64xi32, #tpu.memory_space<vmem>>)
      tpu.yield
    }) : () -> ()
    %mul3A_1 = arith.constant 256 : i32
    %mul3A_2 = arith.muli %add3A, %mul3A_1 : i32
    %dma_start3A = arith.constant 0 : i32
    %dma_start3A_3 = arith.constant 0 : i32
    %dma_start3A_4 = tpu.memref_slice %arg5[%dma_start3A, %dma_start3A_3] : memref<4x64xi32, #tpu.memory_space<vmem>> -> memref<1x64xi32, #tpu.memory_space<vmem>>
    %dma_start3A_5 = tpu.memref_squeeze %dma_start3A_4 : memref<1x64xi32, #tpu.memory_space<vmem>> -> memref<64xi32, #tpu.memory_space<vmem>>
    %dma_start3A_6 = arith.constant 0 : i32
    %dma_start3A_7 = arith.constant 0 : i32
    %dma_start3A_8 = tpu.memref_slice %arg2[%dma_start3A_6, %dma_start3A_7] : memref<11776x512xi32, #tpu.memory_space<hbm>> -> memref<11776x512xi32, #tpu.memory_space<hbm>>
    tpu.enqueue_indirect_dma source(%dma_start3A_8 : memref<11776x512xi32, #tpu.memory_space<hbm>>) target(%arg6 : memref<64x512xi32, #tpu.memory_space<vmem>>) offsets(%dma_start3A_5 : memref<64xi32, #tpu.memory_space<vmem>>) semaphore(%arg8 : memref<!tpu.dma_semaphore, #tpu.memory_space<semaphore_mem>>)
    %dma_wait3A = arith.constant 0 : i32
    %dma_wait3A_9 = arith.constant 0 : i32
    %dma_wait3A_10 = tpu.memref_slice %arg5[%dma_wait3A, %dma_wait3A_9] : memref<4x64xi32, #tpu.memory_space<vmem>> -> memref<1x64xi32, #tpu.memory_space<vmem>>
    %dma_wait3A_11 = tpu.memref_squeeze %dma_wait3A_10 : memref<1x64xi32, #tpu.memory_space<vmem>> -> memref<64xi32, #tpu.memory_space<vmem>>
    %dma_wait3A_12 = arith.constant 0 : i32
    %dma_wait3A_13 = arith.constant 0 : i32
    %dma_wait3A_14 = tpu.memref_slice %arg2[%dma_wait3A_12, %dma_wait3A_13] : memref<11776x512xi32, #tpu.memory_space<hbm>> -> memref<11776x512xi32, #tpu.memory_space<hbm>>
    tpu.wait_indirect_dma semaphore(%arg8 : memref<!tpu.dma_semaphore, #tpu.memory_space<semaphore_mem>>) src(%dma_wait3A_14 : memref<11776x512xi32, #tpu.memory_space<hbm>>) dst(%arg6 : memref<64x512xi32, #tpu.memory_space<vmem>>)
    %dma_start3A_15 = arith.constant 1 : i32
    %dma_start3A_16 = arith.constant 0 : i32
    %dma_start3A_17 = tpu.memref_slice %arg5[%dma_start3A_15, %dma_start3A_16] : memref<4x64xi32, #tpu.memory_space<vmem>> -> memref<1x64xi32, #tpu.memory_space<vmem>>
    %dma_start3A_18 = tpu.memref_squeeze %dma_start3A_17 : memref<1x64xi32, #tpu.memory_space<vmem>> -> memref<64xi32, #tpu.memory_space<vmem>>
    %dma_start3A_19 = arith.constant 0 : i32
    %dma_start3A_20 = arith.constant 0 : i32
    %dma_start3A_21 = tpu.memref_slice %arg2[%dma_start3A_19, %dma_start3A_20] : memref<11776x512xi32, #tpu.memory_space<hbm>> -> memref<11776x512xi32, #tpu.memory_space<hbm>>
    tpu.enqueue_indirect_dma source(%dma_start3A_21 : memref<11776x512xi32, #tpu.memory_space<hbm>>) target(%arg7 : memref<64x512xi32, #tpu.memory_space<vmem>>) offsets(%dma_start3A_18 : memref<64xi32, #tpu.memory_space<vmem>>) semaphore(%arg8 : memref<!tpu.dma_semaphore, #tpu.memory_space<semaphore_mem>>)
    %add3A_22 = arith.constant 0 : i32
    %add3A_23 = arith.addi %mul3A_2, %add3A_22 : i32
    %dma_start3A_24 = arith.constant 0 : i32
    %dma_start3A_25 = tpu.memref_slice %arg4[%add3A_23, %dma_start3A_24] : memref<8192x512xi32, #tpu.memory_space<hbm>> -> memref<64x512xi32, #tpu.memory_space<hbm>>
    %dma_start3A_26 = arith.constant 0 : i32
    %dma_start3A_27 = tpu.memref_slice %arg4[%add3A_23, %dma_start3A_26] : memref<8192x512xi32, #tpu.memory_space<hbm>> -> memref<64x512xi32, #tpu.memory_space<hbm>>
    tpu.enqueue_dma source(%arg6 : memref<64x512xi32, #tpu.memory_space<vmem>>) target(%dma_start3A_27 : memref<64x512xi32, #tpu.memory_space<hbm>>) target_semaphore(%arg9 : memref<!tpu.dma_semaphore, #tpu.memory_space<semaphore_mem>>)
    %dma_wait3A_28 = arith.constant 1 : i32
    %dma_wait3A_29 = arith.constant 0 : i32
    %dma_wait3A_30 = tpu.memref_slice %arg5[%dma_wait3A_28, %dma_wait3A_29] : memref<4x64xi32, #tpu.memory_space<vmem>> -> memref<1x64xi32, #tpu.memory_space<vmem>>
    %dma_wait3A_31 = tpu.memref_squeeze %dma_wait3A_30 : memref<1x64xi32, #tpu.memory_space<vmem>> -> memref<64xi32, #tpu.memory_space<vmem>>
    %dma_wait3A_32 = arith.constant 0 : i32
    %dma_wait3A_33 = arith.constant 0 : i32
    %dma_wait3A_34 = tpu.memref_slice %arg2[%dma_wait3A_32, %dma_wait3A_33] : memref<11776x512xi32, #tpu.memory_space<hbm>> -> memref<11776x512xi32, #tpu.memory_space<hbm>>
    tpu.wait_indirect_dma semaphore(%arg8 : memref<!tpu.dma_semaphore, #tpu.memory_space<semaphore_mem>>) src(%dma_wait3A_34 : memref<11776x512xi32, #tpu.memory_space<hbm>>) dst(%arg7 : memref<64x512xi32, #tpu.memory_space<vmem>>)
    %dma_wait3A_35 = arith.constant 0 : i32
    %dma_wait3A_36 = tpu.memref_slice %arg4[%add3A_23, %dma_wait3A_35] : memref<8192x512xi32, #tpu.memory_space<hbm>> -> memref<64x512xi32, #tpu.memory_space<hbm>>
    %dma_wait3A_37 = arith.constant 0 : i32
    %dma_wait3A_38 = tpu.memref_slice %arg4[%add3A_23, %dma_wait3A_37] : memref<8192x512xi32, #tpu.memory_space<hbm>> -> memref<64x512xi32, #tpu.memory_space<hbm>>
    tpu.wait_dma2 semaphore(%arg9 : memref<!tpu.dma_semaphore, #tpu.memory_space<semaphore_mem>>) src(%arg6 : memref<64x512xi32, #tpu.memory_space<vmem>>) dst(%dma_wait3A_38 : memref<64x512xi32, #tpu.memory_space<hbm>>)
    %dma_start3A_39 = arith.constant 2 : i32
    %dma_start3A_40 = arith.constant 0 : i32
    %dma_start3A_41 = tpu.memref_slice %arg5[%dma_start3A_39, %dma_start3A_40] : memref<4x64xi32, #tpu.memory_space<vmem>> -> memref<1x64xi32, #tpu.memory_space<vmem>>
    %dma_start3A_42 = tpu.memref_squeeze %dma_start3A_41 : memref<1x64xi32, #tpu.memory_space<vmem>> -> memref<64xi32, #tpu.memory_space<vmem>>
    %dma_start3A_43 = arith.constant 0 : i32
    %dma_start3A_44 = arith.constant 0 : i32
    %dma_start3A_45 = tpu.memref_slice %arg2[%dma_start3A_43, %dma_start3A_44] : memref<11776x512xi32, #tpu.memory_space<hbm>> -> memref<11776x512xi32, #tpu.memory_space<hbm>>
    tpu.enqueue_indirect_dma source(%dma_start3A_45 : memref<11776x512xi32, #tpu.memory_space<hbm>>) target(%arg6 : memref<64x512xi32, #tpu.memory_space<vmem>>) offsets(%dma_start3A_42 : memref<64xi32, #tpu.memory_space<vmem>>) semaphore(%arg8 : memref<!tpu.dma_semaphore, #tpu.memory_space<semaphore_mem>>)
    %add3A_46 = arith.constant 64 : i32
    %add3A_47 = arith.addi %mul3A_2, %add3A_46 : i32
    %dma_start3A_48 = arith.constant 0 : i32
    %dma_start3A_49 = tpu.memref_slice %arg4[%add3A_47, %dma_start3A_48] : memref<8192x512xi32, #tpu.memory_space<hbm>> -> memref<64x512xi32, #tpu.memory_space<hbm>>
    %dma_start3A_50 = arith.constant 0 : i32
    %dma_start3A_51 = tpu.memref_slice %arg4[%add3A_47, %dma_start3A_50] : memref<8192x512xi32, #tpu.memory_space<hbm>> -> memref<64x512xi32, #tpu.memory_space<hbm>>
    tpu.enqueue_dma source(%arg7 : memref<64x512xi32, #tpu.memory_space<vmem>>) target(%dma_start3A_51 : memref<64x512xi32, #tpu.memory_space<hbm>>) target_semaphore(%arg9 : memref<!tpu.dma_semaphore, #tpu.memory_space<semaphore_mem>>)
    %dma_wait3A_52 = arith.constant 2 : i32
    %dma_wait3A_53 = arith.constant 0 : i32
    %dma_wait3A_54 = tpu.memref_slice %arg5[%dma_wait3A_52, %dma_wait3A_53] : memref<4x64xi32, #tpu.memory_space<vmem>> -> memref<1x64xi32, #tpu.memory_space<vmem>>
    %dma_wait3A_55 = tpu.memref_squeeze %dma_wait3A_54 : memref<1x64xi32, #tpu.memory_space<vmem>> -> memref<64xi32, #tpu.memory_space<vmem>>
    %dma_wait3A_56 = arith.constant 0 : i32
    %dma_wait3A_57 = arith.constant 0 : i32
    %dma_wait3A_58 = tpu.memref_slice %arg2[%dma_wait3A_56, %dma_wait3A_57] : memref<11776x512xi32, #tpu.memory_space<hbm>> -> memref<11776x512xi32, #tpu.memory_space<hbm>>
    tpu.wait_indirect_dma semaphore(%arg8 : memref<!tpu.dma_semaphore, #tpu.memory_space<semaphore_mem>>) src(%dma_wait3A_58 : memref<11776x512xi32, #tpu.memory_space<hbm>>) dst(%arg6 : memref<64x512xi32, #tpu.memory_space<vmem>>)
    %dma_wait3A_59 = arith.constant 0 : i32
    %dma_wait3A_60 = tpu.memref_slice %arg4[%add3A_47, %dma_wait3A_59] : memref<8192x512xi32, #tpu.memory_space<hbm>> -> memref<64x512xi32, #tpu.memory_space<hbm>>
    %dma_wait3A_61 = arith.constant 0 : i32
    %dma_wait3A_62 = tpu.memref_slice %arg4[%add3A_47, %dma_wait3A_61] : memref<8192x512xi32, #tpu.memory_space<hbm>> -> memref<64x512xi32, #tpu.memory_space<hbm>>
    tpu.wait_dma2 semaphore(%arg9 : memref<!tpu.dma_semaphore, #tpu.memory_space<semaphore_mem>>) src(%arg7 : memref<64x512xi32, #tpu.memory_space<vmem>>) dst(%dma_wait3A_62 : memref<64x512xi32, #tpu.memory_space<hbm>>)
    %dma_start3A_63 = arith.constant 3 : i32
    %dma_start3A_64 = arith.constant 0 : i32
    %dma_start3A_65 = tpu.memref_slice %arg5[%dma_start3A_63, %dma_start3A_64] : memref<4x64xi32, #tpu.memory_space<vmem>> -> memref<1x64xi32, #tpu.memory_space<vmem>>
    %dma_start3A_66 = tpu.memref_squeeze %dma_start3A_65 : memref<1x64xi32, #tpu.memory_space<vmem>> -> memref<64xi32, #tpu.memory_space<vmem>>
    %dma_start3A_67 = arith.constant 0 : i32
    %dma_start3A_68 = arith.constant 0 : i32
    %dma_start3A_69 = tpu.memref_slice %arg2[%dma_start3A_67, %dma_start3A_68] : memref<11776x512xi32, #tpu.memory_space<hbm>> -> memref<11776x512xi32, #tpu.memory_space<hbm>>
    tpu.enqueue_indirect_dma source(%dma_start3A_69 : memref<11776x512xi32, #tpu.memory_space<hbm>>) target(%arg7 : memref<64x512xi32, #tpu.memory_space<vmem>>) offsets(%dma_start3A_66 : memref<64xi32, #tpu.memory_space<vmem>>) semaphore(%arg8 : memref<!tpu.dma_semaphore, #tpu.memory_space<semaphore_mem>>)
    %add3A_70 = arith.constant 128 : i32
    %add3A_71 = arith.addi %mul3A_2, %add3A_70 : i32
    %dma_start3A_72 = arith.constant 0 : i32
    %dma_start3A_73 = tpu.memref_slice %arg4[%add3A_71, %dma_start3A_72] : memref<8192x512xi32, #tpu.memory_space<hbm>> -> memref<64x512xi32, #tpu.memory_space<hbm>>
    %dma_start3A_74 = arith.constant 0 : i32
    %dma_start3A_75 = tpu.memref_slice %arg4[%add3A_71, %dma_start3A_74] : memref<8192x512xi32, #tpu.memory_space<hbm>> -> memref<64x512xi32, #tpu.memory_space<hbm>>
    tpu.enqueue_dma source(%arg6 : memref<64x512xi32, #tpu.memory_space<vmem>>) target(%dma_start3A_75 : memref<64x512xi32, #tpu.memory_space<hbm>>) target_semaphore(%arg9 : memref<!tpu.dma_semaphore, #tpu.memory_space<semaphore_mem>>)
    %dma_wait3A_76 = arith.constant 3 : i32
    %dma_wait3A_77 = arith.constant 0 : i32
    %dma_wait3A_78 = tpu.memref_slice %arg5[%dma_wait3A_76, %dma_wait3A_77] : memref<4x64xi32, #tpu.memory_space<vmem>> -> memref<1x64xi32, #tpu.memory_space<vmem>>
    %dma_wait3A_79 = tpu.memref_squeeze %dma_wait3A_78 : memref<1x64xi32, #tpu.memory_space<vmem>> -> memref<64xi32, #tpu.memory_space<vmem>>
    %dma_wait3A_80 = arith.constant 0 : i32
    %dma_wait3A_81 = arith.constant 0 : i32
    %dma_wait3A_82 = tpu.memref_slice %arg2[%dma_wait3A_80, %dma_wait3A_81] : memref<11776x512xi32, #tpu.memory_space<hbm>> -> memref<11776x512xi32, #tpu.memory_space<hbm>>
    tpu.wait_indirect_dma semaphore(%arg8 : memref<!tpu.dma_semaphore, #tpu.memory_space<semaphore_mem>>) src(%dma_wait3A_82 : memref<11776x512xi32, #tpu.memory_space<hbm>>) dst(%arg7 : memref<64x512xi32, #tpu.memory_space<vmem>>)
    %add3A_83 = arith.constant 192 : i32
    %add3A_84 = arith.addi %mul3A_2, %add3A_83 : i32
    %dma_start3A_85 = arith.constant 0 : i32
    %dma_start3A_86 = tpu.memref_slice %arg4[%add3A_84, %dma_start3A_85] : memref<8192x512xi32, #tpu.memory_space<hbm>> -> memref<64x512xi32, #tpu.memory_space<hbm>>
    %dma_start3A_87 = arith.constant 0 : i32
    %dma_start3A_88 = tpu.memref_slice %arg4[%add3A_84, %dma_start3A_87] : memref<8192x512xi32, #tpu.memory_space<hbm>> -> memref<64x512xi32, #tpu.memory_space<hbm>>
    tpu.enqueue_dma source(%arg7 : memref<64x512xi32, #tpu.memory_space<vmem>>) target(%dma_start3A_88 : memref<64x512xi32, #tpu.memory_space<hbm>>) target_semaphore(%arg9 : memref<!tpu.dma_semaphore, #tpu.memory_space<semaphore_mem>>)
    %dma_wait3A_89 = arith.constant 0 : i32
    %dma_wait3A_90 = tpu.memref_slice %arg4[%add3A_71, %dma_wait3A_89] : memref<8192x512xi32, #tpu.memory_space<hbm>> -> memref<64x512xi32, #tpu.memory_space<hbm>>
    %dma_wait3A_91 = arith.constant 0 : i32
    %dma_wait3A_92 = tpu.memref_slice %arg4[%add3A_71, %dma_wait3A_91] : memref<8192x512xi32, #tpu.memory_space<hbm>> -> memref<64x512xi32, #tpu.memory_space<hbm>>
    tpu.wait_dma2 semaphore(%arg9 : memref<!tpu.dma_semaphore, #tpu.memory_space<semaphore_mem>>) src(%arg6 : memref<64x512xi32, #tpu.memory_space<vmem>>) dst(%dma_wait3A_92 : memref<64x512xi32, #tpu.memory_space<hbm>>)
    %dma_wait3A_93 = arith.constant 0 : i32
    %dma_wait3A_94 = tpu.memref_slice %arg4[%add3A_84, %dma_wait3A_93] : memref<8192x512xi32, #tpu.memory_space<hbm>> -> memref<64x512xi32, #tpu.memory_space<hbm>>
    %dma_wait3A_95 = arith.constant 0 : i32
    %dma_wait3A_96 = tpu.memref_slice %arg4[%add3A_84, %dma_wait3A_95] : memref<8192x512xi32, #tpu.memory_space<hbm>> -> memref<64x512xi32, #tpu.memory_space<hbm>>
    tpu.wait_dma2 semaphore(%arg9 : memref<!tpu.dma_semaphore, #tpu.memory_space<semaphore_mem>>) src(%arg7 : memref<64x512xi32, #tpu.memory_space<vmem>>) dst(%dma_wait3A_96 : memref<64x512xi32, #tpu.memory_space<hbm>>)
    return
  }
}

#map = affine_map<(d0, d1) -> (0, 0)>
#map1 = affine_map<(d0, d1) -> (0, 0, 0)>
module attributes {stable_mosaic.version = 14 : i64} {
  func.func @sc_dispatch(%arg0: i32, %arg1: i32, %arg2: memref<4096x512xi32, #tpu.memory_space<hbm>>, %arg3: memref<32x4x64xi32, #tpu.memory_space<hbm>>, %arg4: memref<11776x512xi32, #tpu.memory_space<hbm>>, %arg5: memref<4x64xi32, #tpu.memory_space<vmem>>, %arg6: memref<64x512xi32, #tpu.memory_space<vmem>>, %arg7: memref<64x512xi32, #tpu.memory_space<vmem>>, %arg8: memref<!tpu.dma_semaphore, #tpu.memory_space<semaphore_mem>>, %arg9: memref<!tpu.dma_semaphore, #tpu.memory_space<semaphore_mem>>) attributes {dimension_semantics = [#tpu.dimension_semantics<core_parallel>, #tpu.dimension_semantics<subcore_parallel>], iteration_bounds = array<i64: 2, 16>, scalar_prefetch = 0 : i64, scratch_operands = 5 : i64, tpu.core_type = #tpu.core_type<sc_vector_subcore>, window_params = [{transform_indices = #map}, {transform_indices = #map1}, {transform_indices = #map}]} {
    %mul3A = arith.constant 2 : i32
    %mul3A_0 = arith.muli %arg1, %mul3A : i32
    %add3A = arith.addi %mul3A_0, %arg0 : i32
    "tpu.region"() ({
      %run_scoped3A = tpu.sem_alloc : memref<!tpu.dma_semaphore, #tpu.memory_space<semaphore_mem>>
      %dma_start3A_96 = arith.constant 0 : i32
      %dma_start3A_97 = arith.constant 0 : i32
      %dma_start3A_98 = tpu.memref_slice %arg3[%add3A, %dma_start3A_96, %dma_start3A_97] : memref<32x4x64xi32, #tpu.memory_space<hbm>> -> memref<1x4x64xi32, #tpu.memory_space<hbm>>
      %dma_start3A_99 = tpu.memref_squeeze %dma_start3A_98 : memref<1x4x64xi32, #tpu.memory_space<hbm>> -> memref<4x64xi32, #tpu.memory_space<hbm>>
      %dma_start3A_100 = arith.constant 0 : i32
      %dma_start3A_101 = arith.constant 0 : i32
      %dma_start3A_102 = tpu.memref_slice %arg3[%add3A, %dma_start3A_100, %dma_start3A_101] : memref<32x4x64xi32, #tpu.memory_space<hbm>> -> memref<1x4x64xi32, #tpu.memory_space<hbm>>
      %dma_start3A_103 = tpu.memref_squeeze %dma_start3A_102 : memref<1x4x64xi32, #tpu.memory_space<hbm>> -> memref<4x64xi32, #tpu.memory_space<hbm>>
      tpu.enqueue_dma source(%dma_start3A_103 : memref<4x64xi32, #tpu.memory_space<hbm>>) target(%arg5 : memref<4x64xi32, #tpu.memory_space<vmem>>) target_semaphore(%run_scoped3A : memref<!tpu.dma_semaphore, #tpu.memory_space<semaphore_mem>>)
      %dma_wait3A_104 = arith.constant 0 : i32
      %dma_wait3A_105 = arith.constant 0 : i32
      %dma_wait3A_106 = tpu.memref_slice %arg3[%add3A, %dma_wait3A_104, %dma_wait3A_105] : memref<32x4x64xi32, #tpu.memory_space<hbm>> -> memref<1x4x64xi32, #tpu.memory_space<hbm>>
      %dma_wait3A_107 = tpu.memref_squeeze %dma_wait3A_106 : memref<1x4x64xi32, #tpu.memory_space<hbm>> -> memref<4x64xi32, #tpu.memory_space<hbm>>
      %dma_wait3A_108 = arith.constant 0 : i32
      %dma_wait3A_109 = arith.constant 0 : i32
      %dma_wait3A_110 = tpu.memref_slice %arg3[%add3A, %dma_wait3A_108, %dma_wait3A_109] : memref<32x4x64xi32, #tpu.memory_space<hbm>> -> memref<1x4x64xi32, #tpu.memory_space<hbm>>
      %dma_wait3A_111 = tpu.memref_squeeze %dma_wait3A_110 : memref<1x4x64xi32, #tpu.memory_space<hbm>> -> memref<4x64xi32, #tpu.memory_space<hbm>>
      tpu.wait_dma2 semaphore(%run_scoped3A : memref<!tpu.dma_semaphore, #tpu.memory_space<semaphore_mem>>) src(%dma_wait3A_111 : memref<4x64xi32, #tpu.memory_space<hbm>>) dst(%arg5 : memref<4x64xi32, #tpu.memory_space<vmem>>)
      tpu.yield
    }) : () -> ()
    %mul3A_1 = arith.constant 256 : i32
    %mul3A_2 = arith.muli %add3A, %mul3A_1 : i32
    %rem3A = arith.constant 4096 : i32
    %rem3A_3 = arith.remsi %mul3A_2, %rem3A : i32
    %dma_start3A = arith.constant 0 : i32
    %dma_start3A_4 = tpu.memref_slice %arg2[%rem3A_3, %dma_start3A] : memref<4096x512xi32, #tpu.memory_space<hbm>> -> memref<64x512xi32, #tpu.memory_space<hbm>>
    %dma_start3A_5 = arith.constant 0 : i32
    %dma_start3A_6 = tpu.memref_slice %arg2[%rem3A_3, %dma_start3A_5] : memref<4096x512xi32, #tpu.memory_space<hbm>> -> memref<64x512xi32, #tpu.memory_space<hbm>>
    tpu.enqueue_dma source(%dma_start3A_6 : memref<64x512xi32, #tpu.memory_space<hbm>>) target(%arg6 : memref<64x512xi32, #tpu.memory_space<vmem>>) target_semaphore(%arg8 : memref<!tpu.dma_semaphore, #tpu.memory_space<semaphore_mem>>)
    %dma_wait3A = arith.constant 0 : i32
    %dma_wait3A_7 = tpu.memref_slice %arg2[%rem3A_3, %dma_wait3A] : memref<4096x512xi32, #tpu.memory_space<hbm>> -> memref<64x512xi32, #tpu.memory_space<hbm>>
    %dma_wait3A_8 = arith.constant 0 : i32
    %dma_wait3A_9 = tpu.memref_slice %arg2[%rem3A_3, %dma_wait3A_8] : memref<4096x512xi32, #tpu.memory_space<hbm>> -> memref<64x512xi32, #tpu.memory_space<hbm>>
    tpu.wait_dma2 semaphore(%arg8 : memref<!tpu.dma_semaphore, #tpu.memory_space<semaphore_mem>>) src(%dma_wait3A_9 : memref<64x512xi32, #tpu.memory_space<hbm>>) dst(%arg6 : memref<64x512xi32, #tpu.memory_space<vmem>>)
    %add3A_10 = arith.constant 64 : i32
    %add3A_11 = arith.addi %rem3A_3, %add3A_10 : i32
    %dma_start3A_12 = arith.constant 0 : i32
    %dma_start3A_13 = tpu.memref_slice %arg2[%add3A_11, %dma_start3A_12] : memref<4096x512xi32, #tpu.memory_space<hbm>> -> memref<64x512xi32, #tpu.memory_space<hbm>>
    %dma_start3A_14 = arith.constant 0 : i32
    %dma_start3A_15 = tpu.memref_slice %arg2[%add3A_11, %dma_start3A_14] : memref<4096x512xi32, #tpu.memory_space<hbm>> -> memref<64x512xi32, #tpu.memory_space<hbm>>
    tpu.enqueue_dma source(%dma_start3A_15 : memref<64x512xi32, #tpu.memory_space<hbm>>) target(%arg7 : memref<64x512xi32, #tpu.memory_space<vmem>>) target_semaphore(%arg8 : memref<!tpu.dma_semaphore, #tpu.memory_space<semaphore_mem>>)
    %dma_start3A_16 = arith.constant 0 : i32
    %dma_start3A_17 = arith.constant 0 : i32
    %dma_start3A_18 = tpu.memref_slice %arg5[%dma_start3A_16, %dma_start3A_17] : memref<4x64xi32, #tpu.memory_space<vmem>> -> memref<1x64xi32, #tpu.memory_space<vmem>>
    %dma_start3A_19 = tpu.memref_squeeze %dma_start3A_18 : memref<1x64xi32, #tpu.memory_space<vmem>> -> memref<64xi32, #tpu.memory_space<vmem>>
    %dma_start3A_20 = arith.constant 0 : i32
    %dma_start3A_21 = arith.constant 0 : i32
    %dma_start3A_22 = tpu.memref_slice %arg4[%dma_start3A_20, %dma_start3A_21] : memref<11776x512xi32, #tpu.memory_space<hbm>> -> memref<11776x512xi32, #tpu.memory_space<hbm>>
    tpu.enqueue_indirect_dma source(%arg6 : memref<64x512xi32, #tpu.memory_space<vmem>>) target(%dma_start3A_22 : memref<11776x512xi32, #tpu.memory_space<hbm>>) offsets(%dma_start3A_19 : memref<64xi32, #tpu.memory_space<vmem>>) semaphore(%arg9 : memref<!tpu.dma_semaphore, #tpu.memory_space<semaphore_mem>>)
    %dma_wait3A_23 = arith.constant 0 : i32
    %dma_wait3A_24 = tpu.memref_slice %arg2[%add3A_11, %dma_wait3A_23] : memref<4096x512xi32, #tpu.memory_space<hbm>> -> memref<64x512xi32, #tpu.memory_space<hbm>>
    %dma_wait3A_25 = arith.constant 0 : i32
    %dma_wait3A_26 = tpu.memref_slice %arg2[%add3A_11, %dma_wait3A_25] : memref<4096x512xi32, #tpu.memory_space<hbm>> -> memref<64x512xi32, #tpu.memory_space<hbm>>
    tpu.wait_dma2 semaphore(%arg8 : memref<!tpu.dma_semaphore, #tpu.memory_space<semaphore_mem>>) src(%dma_wait3A_26 : memref<64x512xi32, #tpu.memory_space<hbm>>) dst(%arg7 : memref<64x512xi32, #tpu.memory_space<vmem>>)
    %dma_wait3A_27 = arith.constant 0 : i32
    %dma_wait3A_28 = arith.constant 0 : i32
    %dma_wait3A_29 = tpu.memref_slice %arg5[%dma_wait3A_27, %dma_wait3A_28] : memref<4x64xi32, #tpu.memory_space<vmem>> -> memref<1x64xi32, #tpu.memory_space<vmem>>
    %dma_wait3A_30 = tpu.memref_squeeze %dma_wait3A_29 : memref<1x64xi32, #tpu.memory_space<vmem>> -> memref<64xi32, #tpu.memory_space<vmem>>
    %dma_wait3A_31 = arith.constant 0 : i32
    %dma_wait3A_32 = arith.constant 0 : i32
    %dma_wait3A_33 = tpu.memref_slice %arg4[%dma_wait3A_31, %dma_wait3A_32] : memref<11776x512xi32, #tpu.memory_space<hbm>> -> memref<11776x512xi32, #tpu.memory_space<hbm>>
    tpu.wait_indirect_dma semaphore(%arg9 : memref<!tpu.dma_semaphore, #tpu.memory_space<semaphore_mem>>) src(%arg6 : memref<64x512xi32, #tpu.memory_space<vmem>>) dst(%dma_wait3A_33 : memref<11776x512xi32, #tpu.memory_space<hbm>>)
    %add3A_34 = arith.constant 128 : i32
    %add3A_35 = arith.addi %rem3A_3, %add3A_34 : i32
    %dma_start3A_36 = arith.constant 0 : i32
    %dma_start3A_37 = tpu.memref_slice %arg2[%add3A_35, %dma_start3A_36] : memref<4096x512xi32, #tpu.memory_space<hbm>> -> memref<64x512xi32, #tpu.memory_space<hbm>>
    %dma_start3A_38 = arith.constant 0 : i32
    %dma_start3A_39 = tpu.memref_slice %arg2[%add3A_35, %dma_start3A_38] : memref<4096x512xi32, #tpu.memory_space<hbm>> -> memref<64x512xi32, #tpu.memory_space<hbm>>
    tpu.enqueue_dma source(%dma_start3A_39 : memref<64x512xi32, #tpu.memory_space<hbm>>) target(%arg6 : memref<64x512xi32, #tpu.memory_space<vmem>>) target_semaphore(%arg8 : memref<!tpu.dma_semaphore, #tpu.memory_space<semaphore_mem>>)
    %dma_start3A_40 = arith.constant 1 : i32
    %dma_start3A_41 = arith.constant 0 : i32
    %dma_start3A_42 = tpu.memref_slice %arg5[%dma_start3A_40, %dma_start3A_41] : memref<4x64xi32, #tpu.memory_space<vmem>> -> memref<1x64xi32, #tpu.memory_space<vmem>>
    %dma_start3A_43 = tpu.memref_squeeze %dma_start3A_42 : memref<1x64xi32, #tpu.memory_space<vmem>> -> memref<64xi32, #tpu.memory_space<vmem>>
    %dma_start3A_44 = arith.constant 0 : i32
    %dma_start3A_45 = arith.constant 0 : i32
    %dma_start3A_46 = tpu.memref_slice %arg4[%dma_start3A_44, %dma_start3A_45] : memref<11776x512xi32, #tpu.memory_space<hbm>> -> memref<11776x512xi32, #tpu.memory_space<hbm>>
    tpu.enqueue_indirect_dma source(%arg7 : memref<64x512xi32, #tpu.memory_space<vmem>>) target(%dma_start3A_46 : memref<11776x512xi32, #tpu.memory_space<hbm>>) offsets(%dma_start3A_43 : memref<64xi32, #tpu.memory_space<vmem>>) semaphore(%arg9 : memref<!tpu.dma_semaphore, #tpu.memory_space<semaphore_mem>>)
    %dma_wait3A_47 = arith.constant 0 : i32
    %dma_wait3A_48 = tpu.memref_slice %arg2[%add3A_35, %dma_wait3A_47] : memref<4096x512xi32, #tpu.memory_space<hbm>> -> memref<64x512xi32, #tpu.memory_space<hbm>>
    %dma_wait3A_49 = arith.constant 0 : i32
    %dma_wait3A_50 = tpu.memref_slice %arg2[%add3A_35, %dma_wait3A_49] : memref<4096x512xi32, #tpu.memory_space<hbm>> -> memref<64x512xi32, #tpu.memory_space<hbm>>
    tpu.wait_dma2 semaphore(%arg8 : memref<!tpu.dma_semaphore, #tpu.memory_space<semaphore_mem>>) src(%dma_wait3A_50 : memref<64x512xi32, #tpu.memory_space<hbm>>) dst(%arg6 : memref<64x512xi32, #tpu.memory_space<vmem>>)
    %dma_wait3A_51 = arith.constant 1 : i32
    %dma_wait3A_52 = arith.constant 0 : i32
    %dma_wait3A_53 = tpu.memref_slice %arg5[%dma_wait3A_51, %dma_wait3A_52] : memref<4x64xi32, #tpu.memory_space<vmem>> -> memref<1x64xi32, #tpu.memory_space<vmem>>
    %dma_wait3A_54 = tpu.memref_squeeze %dma_wait3A_53 : memref<1x64xi32, #tpu.memory_space<vmem>> -> memref<64xi32, #tpu.memory_space<vmem>>
    %dma_wait3A_55 = arith.constant 0 : i32
    %dma_wait3A_56 = arith.constant 0 : i32
    %dma_wait3A_57 = tpu.memref_slice %arg4[%dma_wait3A_55, %dma_wait3A_56] : memref<11776x512xi32, #tpu.memory_space<hbm>> -> memref<11776x512xi32, #tpu.memory_space<hbm>>
    tpu.wait_indirect_dma semaphore(%arg9 : memref<!tpu.dma_semaphore, #tpu.memory_space<semaphore_mem>>) src(%arg7 : memref<64x512xi32, #tpu.memory_space<vmem>>) dst(%dma_wait3A_57 : memref<11776x512xi32, #tpu.memory_space<hbm>>)
    %add3A_58 = arith.constant 192 : i32
    %add3A_59 = arith.addi %rem3A_3, %add3A_58 : i32
    %dma_start3A_60 = arith.constant 0 : i32
    %dma_start3A_61 = tpu.memref_slice %arg2[%add3A_59, %dma_start3A_60] : memref<4096x512xi32, #tpu.memory_space<hbm>> -> memref<64x512xi32, #tpu.memory_space<hbm>>
    %dma_start3A_62 = arith.constant 0 : i32
    %dma_start3A_63 = tpu.memref_slice %arg2[%add3A_59, %dma_start3A_62] : memref<4096x512xi32, #tpu.memory_space<hbm>> -> memref<64x512xi32, #tpu.memory_space<hbm>>
    tpu.enqueue_dma source(%dma_start3A_63 : memref<64x512xi32, #tpu.memory_space<hbm>>) target(%arg7 : memref<64x512xi32, #tpu.memory_space<vmem>>) target_semaphore(%arg8 : memref<!tpu.dma_semaphore, #tpu.memory_space<semaphore_mem>>)
    %dma_start3A_64 = arith.constant 2 : i32
    %dma_start3A_65 = arith.constant 0 : i32
    %dma_start3A_66 = tpu.memref_slice %arg5[%dma_start3A_64, %dma_start3A_65] : memref<4x64xi32, #tpu.memory_space<vmem>> -> memref<1x64xi32, #tpu.memory_space<vmem>>
    %dma_start3A_67 = tpu.memref_squeeze %dma_start3A_66 : memref<1x64xi32, #tpu.memory_space<vmem>> -> memref<64xi32, #tpu.memory_space<vmem>>
    %dma_start3A_68 = arith.constant 0 : i32
    %dma_start3A_69 = arith.constant 0 : i32
    %dma_start3A_70 = tpu.memref_slice %arg4[%dma_start3A_68, %dma_start3A_69] : memref<11776x512xi32, #tpu.memory_space<hbm>> -> memref<11776x512xi32, #tpu.memory_space<hbm>>
    tpu.enqueue_indirect_dma source(%arg6 : memref<64x512xi32, #tpu.memory_space<vmem>>) target(%dma_start3A_70 : memref<11776x512xi32, #tpu.memory_space<hbm>>) offsets(%dma_start3A_67 : memref<64xi32, #tpu.memory_space<vmem>>) semaphore(%arg9 : memref<!tpu.dma_semaphore, #tpu.memory_space<semaphore_mem>>)
    %dma_wait3A_71 = arith.constant 0 : i32
    %dma_wait3A_72 = tpu.memref_slice %arg2[%add3A_59, %dma_wait3A_71] : memref<4096x512xi32, #tpu.memory_space<hbm>> -> memref<64x512xi32, #tpu.memory_space<hbm>>
    %dma_wait3A_73 = arith.constant 0 : i32
    %dma_wait3A_74 = tpu.memref_slice %arg2[%add3A_59, %dma_wait3A_73] : memref<4096x512xi32, #tpu.memory_space<hbm>> -> memref<64x512xi32, #tpu.memory_space<hbm>>
    tpu.wait_dma2 semaphore(%arg8 : memref<!tpu.dma_semaphore, #tpu.memory_space<semaphore_mem>>) src(%dma_wait3A_74 : memref<64x512xi32, #tpu.memory_space<hbm>>) dst(%arg7 : memref<64x512xi32, #tpu.memory_space<vmem>>)
    %dma_start3A_75 = arith.constant 3 : i32
    %dma_start3A_76 = arith.constant 0 : i32
    %dma_start3A_77 = tpu.memref_slice %arg5[%dma_start3A_75, %dma_start3A_76] : memref<4x64xi32, #tpu.memory_space<vmem>> -> memref<1x64xi32, #tpu.memory_space<vmem>>
    %dma_start3A_78 = tpu.memref_squeeze %dma_start3A_77 : memref<1x64xi32, #tpu.memory_space<vmem>> -> memref<64xi32, #tpu.memory_space<vmem>>
    %dma_start3A_79 = arith.constant 0 : i32
    %dma_start3A_80 = arith.constant 0 : i32
    %dma_start3A_81 = tpu.memref_slice %arg4[%dma_start3A_79, %dma_start3A_80] : memref<11776x512xi32, #tpu.memory_space<hbm>> -> memref<11776x512xi32, #tpu.memory_space<hbm>>
    tpu.enqueue_indirect_dma source(%arg7 : memref<64x512xi32, #tpu.memory_space<vmem>>) target(%dma_start3A_81 : memref<11776x512xi32, #tpu.memory_space<hbm>>) offsets(%dma_start3A_78 : memref<64xi32, #tpu.memory_space<vmem>>) semaphore(%arg9 : memref<!tpu.dma_semaphore, #tpu.memory_space<semaphore_mem>>)
    %dma_wait3A_82 = arith.constant 2 : i32
    %dma_wait3A_83 = arith.constant 0 : i32
    %dma_wait3A_84 = tpu.memref_slice %arg5[%dma_wait3A_82, %dma_wait3A_83] : memref<4x64xi32, #tpu.memory_space<vmem>> -> memref<1x64xi32, #tpu.memory_space<vmem>>
    %dma_wait3A_85 = tpu.memref_squeeze %dma_wait3A_84 : memref<1x64xi32, #tpu.memory_space<vmem>> -> memref<64xi32, #tpu.memory_space<vmem>>
    %dma_wait3A_86 = arith.constant 0 : i32
    %dma_wait3A_87 = arith.constant 0 : i32
    %dma_wait3A_88 = tpu.memref_slice %arg4[%dma_wait3A_86, %dma_wait3A_87] : memref<11776x512xi32, #tpu.memory_space<hbm>> -> memref<11776x512xi32, #tpu.memory_space<hbm>>
    tpu.wait_indirect_dma semaphore(%arg9 : memref<!tpu.dma_semaphore, #tpu.memory_space<semaphore_mem>>) src(%arg6 : memref<64x512xi32, #tpu.memory_space<vmem>>) dst(%dma_wait3A_88 : memref<11776x512xi32, #tpu.memory_space<hbm>>)
    %dma_wait3A_89 = arith.constant 3 : i32
    %dma_wait3A_90 = arith.constant 0 : i32
    %dma_wait3A_91 = tpu.memref_slice %arg5[%dma_wait3A_89, %dma_wait3A_90] : memref<4x64xi32, #tpu.memory_space<vmem>> -> memref<1x64xi32, #tpu.memory_space<vmem>>
    %dma_wait3A_92 = tpu.memref_squeeze %dma_wait3A_91 : memref<1x64xi32, #tpu.memory_space<vmem>> -> memref<64xi32, #tpu.memory_space<vmem>>
    %dma_wait3A_93 = arith.constant 0 : i32
    %dma_wait3A_94 = arith.constant 0 : i32
    %dma_wait3A_95 = tpu.memref_slice %arg4[%dma_wait3A_93, %dma_wait3A_94] : memref<11776x512xi32, #tpu.memory_space<hbm>> -> memref<11776x512xi32, #tpu.memory_space<hbm>>
    tpu.wait_indirect_dma semaphore(%arg9 : memref<!tpu.dma_semaphore, #tpu.memory_space<semaphore_mem>>) src(%arg7 : memref<64x512xi32, #tpu.memory_space<vmem>>) dst(%dma_wait3A_95 : memref<11776x512xi32, #tpu.memory_space<hbm>>)
    return
  }
}

module attributes {stable_mosaic.version = 14 : i64} {
  func.func @_routing_body(%arg0: memref<4096x1024xf32, #tpu.memory_space<vmem>>, %arg1: memref<8x1024xf32, #tpu.memory_space<vmem>>, %arg2: memref<8x1xf32, #tpu.memory_space<vmem>>, %arg3: memref<2x4096xi32, #tpu.memory_space<vmem>>, %arg4: memref<2x4096xf32, #tpu.memory_space<vmem>>, %arg5: memref<1x128xi32, #tpu.memory_space<vmem>>, %arg6: memref<4096x512xi32, #tpu.memory_space<vmem>>) attributes {dimension_semantics = [], scalar_prefetch = 0 : i64, scratch_operands = 0 : i64, tpu.core_type = #tpu.core_type<tc>} {
    %get3A = arith.constant 0 : index
    %get3A_0 = arith.constant 0 : index
    %get3A_1 = vector.load %arg0[%get3A, %get3A_0] : memref<4096x1024xf32, #tpu.memory_space<vmem>>, vector<4096x1024xf32>
    %convert_element_type3A = arith.truncf %get3A_1 : vector<4096x1024xf32> to vector<4096x1024xbf16>
    %convert_element_type3A_2 = arith.extf %convert_element_type3A : vector<4096x1024xbf16> to vector<4096x1024xf32>
    %slice3A = vector.extract_strided_slice %convert_element_type3A_2 {offsets = [0, 0], sizes = [4096, 512], strides = [1, 1]} : vector<4096x1024xf32> to vector<4096x512xf32>
    %slice3A_3 = vector.extract_strided_slice %convert_element_type3A_2 {offsets = [0, 512], sizes = [4096, 512], strides = [1, 1]} : vector<4096x1024xf32> to vector<4096x512xf32>
    %pack_elementwise3A = tpu.pack_elementwise %slice3A, %slice3A_3 {target_type = bf16} : vector<4096x512xf32>, vector<4096x512xf32> -> vector<4096x512xi32>
    %swap3A = arith.constant 0 : index
    %swap3A_4 = arith.constant 0 : index
    %swap3A_5 = vector.load %arg6[%swap3A, %swap3A_4] : memref<4096x512xi32, #tpu.memory_space<vmem>>, vector<4096x512xi32>
    tpu.vector_store %arg6[%swap3A, %swap3A_4], %pack_elementwise3A {strides = array<i32>} : memref<4096x512xi32, #tpu.memory_space<vmem>>, vector<4096x512xi32>,
    %get3A_6 = arith.constant 0 : index
    %get3A_7 = arith.constant 0 : index
    %get3A_8 = vector.load %arg1[%get3A_6, %get3A_7] : memref<8x1024xf32, #tpu.memory_space<vmem>>, vector<8x1024xf32>
    %convert_element_type3A_9 = arith.truncf %get3A_8 : vector<8x1024xf32> to vector<8x1024xbf16>
    %convert_element_type3A_10 = arith.truncf %get3A_1 : vector<4096x1024xf32> to vector<4096x1024xbf16>
    %dot_general3A = arith.constant dense<0.000000e+00> : vector<8x4096xf32>
    %dot_general3A_11 = tpu.matmul %convert_element_type3A_9, %convert_element_type3A_10, %dot_general3A {dimension_numbers = #tpu.dot_dimension_numbers<[1], [1], [0], [0], [0, 0, 1, 0], [], []>, transpose_lhs_hint = false} : vector<8x1024xbf16>, vector<4096x1024xbf16>, vector<8x4096xf32> -> vector<8x4096xf32>
    %get3A_12 = arith.constant 0 : index
    %get3A_13 = arith.constant 0 : index
    %get3A_14 = vector.load %arg2[%get3A_12, %get3A_13] : memref<8x1xf32, #tpu.memory_space<vmem>>, vector<8x1xf32>
    %add3A = vector.broadcast %get3A_14 : vector<8x1xf32> to vector<8x4096xf32>
    %add3A_15 = arith.addf %dot_general3A_11, %add3A : vector<8x4096xf32>
    %iota3A = tpu.iota {dimensions = array<i32: 0>} : vector<8x4096xi32>
    %reduce_max3A = arith.constant dense<0xFF800000> : vector<4096xf32>
    %reduce_max3A_16 = vector.multi_reduction <maximumf>, %add3A_15, %reduce_max3A [0] : vector<8x4096xf32> to vector<4096xf32>
    %broadcast_in_dim3A = vector.shape_cast %reduce_max3A_16 : vector<4096xf32> to vector<1x4096xf32>
    %eq3A = vector.broadcast %broadcast_in_dim3A : vector<1x4096xf32> to vector<8x4096xf32>
    %eq3A_17 = arith.cmpf oeq, %add3A_15, %eq3A : vector<8x4096xf32>
    %jit3A = arith.constant 8 : i32
    %broadcast_in_dim3A_18 = vector.broadcast %jit3A : i32 to vector<8x4096xi32>
    %select_n3A = arith.select %eq3A_17, %iota3A, %broadcast_in_dim3A_18 : vector<8x4096xi1>, vector<8x4096xi32>
    %reduce_min3A = arith.constant dense<2147483647> : vector<4096xi32>
    %reduce_min3A_19 = vector.multi_reduction <minsi>, %select_n3A, %reduce_min3A [0] : vector<8x4096xi32> to vector<4096xi32>
    %broadcast_in_dim3A_20 = vector.shape_cast %reduce_min3A_19 : vector<4096xi32> to vector<1x4096xi32>
    %eq3A_21 = vector.broadcast %broadcast_in_dim3A_20 : vector<1x4096xi32> to vector<8x4096xi32>
    %eq3A_22 = arith.cmpi eq, %iota3A, %eq3A_21 : vector<8x4096xi32>
    %jit3A_23 = arith.constant -1.000000e+30 : f32
    %broadcast_in_dim3A_24 = vector.broadcast %jit3A_23 : f32 to vector<8x4096xf32>
    %select_n3A_25 = arith.select %eq3A_22, %broadcast_in_dim3A_24, %add3A_15 : vector<8x4096xi1>, vector<8x4096xf32>
    %reduce_max3A_26 = arith.constant dense<0xFF800000> : vector<4096xf32>
    %reduce_max3A_27 = vector.multi_reduction <maximumf>, %select_n3A_25, %reduce_max3A_26 [0] : vector<8x4096xf32> to vector<4096xf32>
    %broadcast_in_dim3A_28 = vector.shape_cast %reduce_max3A_27 : vector<4096xf32> to vector<1x4096xf32>
    %eq3A_29 = vector.broadcast %broadcast_in_dim3A_28 : vector<1x4096xf32> to vector<8x4096xf32>
    %eq3A_30 = arith.cmpf oeq, %select_n3A_25, %eq3A_29 : vector<8x4096xf32>
    %jit3A_31 = arith.constant 8 : i32
    %broadcast_in_dim3A_32 = vector.broadcast %jit3A_31 : i32 to vector<8x4096xi32>
    %select_n3A_33 = arith.select %eq3A_30, %iota3A, %broadcast_in_dim3A_32 : vector<8x4096xi1>, vector<8x4096xi32>
    %reduce_min3A_34 = arith.constant dense<2147483647> : vector<4096xi32>
    %reduce_min3A_35 = vector.multi_reduction <minsi>, %select_n3A_33, %reduce_min3A_34 [0] : vector<8x4096xi32> to vector<4096xi32>
    %broadcast_in_dim3A_36 = vector.shape_cast %reduce_min3A_35 : vector<4096xi32> to vector<1x4096xi32>
    %eq3A_37 = vector.broadcast %broadcast_in_dim3A_36 : vector<1x4096xi32> to vector<8x4096xi32>
    %eq3A_38 = arith.cmpi eq, %iota3A, %eq3A_37 : vector<8x4096xi32>
    %sub3A = arith.subf %broadcast_in_dim3A, %broadcast_in_dim3A_28 : vector<1x4096xf32>
    %logistic3A = arith.negf %sub3A : vector<1x4096xf32>
    %logistic3A_39 = math.exp %logistic3A : vector<1x4096xf32>
    %logistic3A_40 = arith.constant 1.000000e+00 : f32
    %logistic3A_41 = vector.broadcast %logistic3A_40 : f32 to vector<1x4096xf32>
    %logistic3A_42 = arith.addf %logistic3A_41, %logistic3A_39 : vector<1x4096xf32>
    %logistic3A_43 = arith.divf %logistic3A_41, %logistic3A_42 : vector<1x4096xf32>
    %sub3A_44 = arith.constant 1.000000e+00 : f32
    %sub3A_45 = vector.broadcast %sub3A_44 : f32 to vector<1x4096xf32>
    %sub3A_46 = arith.subf %sub3A_45, %logistic3A_43 : vector<1x4096xf32>
    %concatenate3A = tpu.concatenate %logistic3A_43, %sub3A_46 in 0 : vector<1x4096xf32>, vector<1x4096xf32> -> vector<2x4096xf32>
    %swap3A_47 = arith.constant 0 : index
    %swap3A_48 = arith.constant 0 : index
    %swap3A_49 = vector.load %arg4[%swap3A_47, %swap3A_48] : memref<2x4096xf32, #tpu.memory_space<vmem>>, vector<2x4096xf32>
    tpu.vector_store %arg4[%swap3A_47, %swap3A_48], %concatenate3A {strides = array<i32>} : memref<2x4096xf32, #tpu.memory_space<vmem>>, vector<2x4096xf32>,
    %convert_element_type3A_50 = arith.extui %eq3A_22 : vector<8x4096xi1> to vector<8x4096xi32>
    %convert_element_type3A_51 = arith.extui %eq3A_38 : vector<8x4096xi1> to vector<8x4096xi32>
    %broadcast_in_dim3A_52 = arith.constant 0 : i32
    %broadcast_in_dim3A_53 = vector.broadcast %broadcast_in_dim3A_52 : i32 to vector<8x1xi32>
    %slice3A_54 = vector.extract_strided_slice %convert_element_type3A_50 {offsets = [0, 0], sizes = [8, 4095], strides = [1, 1]} : vector<8x4096xi32> to vector<8x4095xi32>
    %concatenate3A_55 = tpu.concatenate %broadcast_in_dim3A_53, %slice3A_54 in 1 : vector<8x1xi32>, vector<8x4095xi32> -> vector<8x4096xi32>
    %add3A_56 = arith.addi %convert_element_type3A_50, %concatenate3A_55 : vector<8x4096xi32>
    %broadcast_in_dim3A_57 = arith.constant 0 : i32
    %broadcast_in_dim3A_58 = vector.broadcast %broadcast_in_dim3A_57 : i32 to vector<8x2xi32>
    %slice3A_59 = vector.extract_strided_slice %add3A_56 {offsets = [0, 0], sizes = [8, 4094], strides = [1, 1]} : vector<8x4096xi32> to vector<8x4094xi32>
    %concatenate3A_60 = tpu.concatenate %broadcast_in_dim3A_58, %slice3A_59 in 1 : vector<8x2xi32>, vector<8x4094xi32> -> vector<8x4096xi32>
    %add3A_61 = arith.addi %add3A_56, %concatenate3A_60 : vector<8x4096xi32>
    %broadcast_in_dim3A_62 = arith.constant 0 : i32
    %broadcast_in_dim3A_63 = vector.broadcast %broadcast_in_dim3A_62 : i32 to vector<8x4xi32>
    %slice3A_64 = vector.extract_strided_slice %add3A_61 {offsets = [0, 0], sizes = [8, 4092], strides = [1, 1]} : vector<8x4096xi32> to vector<8x4092xi32>
    %concatenate3A_65 = tpu.concatenate %broadcast_in_dim3A_63, %slice3A_64 in 1 : vector<8x4xi32>, vector<8x4092xi32> -> vector<8x4096xi32>
    %add3A_66 = arith.addi %add3A_61, %concatenate3A_65 : vector<8x4096xi32>
    %broadcast_in_dim3A_67 = arith.constant 0 : i32
    %broadcast_in_dim3A_68 = vector.broadcast %broadcast_in_dim3A_67 : i32 to vector<8x8xi32>
    %slice3A_69 = vector.extract_strided_slice %add3A_66 {offsets = [0, 0], sizes = [8, 4088], strides = [1, 1]} : vector<8x4096xi32> to vector<8x4088xi32>
    %concatenate3A_70 = tpu.concatenate %broadcast_in_dim3A_68, %slice3A_69 in 1 : vector<8x8xi32>, vector<8x4088xi32> -> vector<8x4096xi32>
    %add3A_71 = arith.addi %add3A_66, %concatenate3A_70 : vector<8x4096xi32>
    %broadcast_in_dim3A_72 = arith.constant 0 : i32
    %broadcast_in_dim3A_73 = vector.broadcast %broadcast_in_dim3A_72 : i32 to vector<8x16xi32>
    %slice3A_74 = vector.extract_strided_slice %add3A_71 {offsets = [0, 0], sizes = [8, 4080], strides = [1, 1]} : vector<8x4096xi32> to vector<8x4080xi32>
    %concatenate3A_75 = tpu.concatenate %broadcast_in_dim3A_73, %slice3A_74 in 1 : vector<8x16xi32>, vector<8x4080xi32> -> vector<8x4096xi32>
    %add3A_76 = arith.addi %add3A_71, %concatenate3A_75 : vector<8x4096xi32>
    %broadcast_in_dim3A_77 = arith.constant 0 : i32
    %broadcast_in_dim3A_78 = vector.broadcast %broadcast_in_dim3A_77 : i32 to vector<8x32xi32>
    %slice3A_79 = vector.extract_strided_slice %add3A_76 {offsets = [0, 0], sizes = [8, 4064], strides = [1, 1]} : vector<8x4096xi32> to vector<8x4064xi32>
    %concatenate3A_80 = tpu.concatenate %broadcast_in_dim3A_78, %slice3A_79 in 1 : vector<8x32xi32>, vector<8x4064xi32> -> vector<8x4096xi32>
    %add3A_81 = arith.addi %add3A_76, %concatenate3A_80 : vector<8x4096xi32>
    %broadcast_in_dim3A_82 = arith.constant 0 : i32
    %broadcast_in_dim3A_83 = vector.broadcast %broadcast_in_dim3A_82 : i32 to vector<8x64xi32>
    %slice3A_84 = vector.extract_strided_slice %add3A_81 {offsets = [0, 0], sizes = [8, 4032], strides = [1, 1]} : vector<8x4096xi32> to vector<8x4032xi32>
    %concatenate3A_85 = tpu.concatenate %broadcast_in_dim3A_83, %slice3A_84 in 1 : vector<8x64xi32>, vector<8x4032xi32> -> vector<8x4096xi32>
    %add3A_86 = arith.addi %add3A_81, %concatenate3A_85 : vector<8x4096xi32>
    %broadcast_in_dim3A_87 = arith.constant 0 : i32
    %broadcast_in_dim3A_88 = vector.broadcast %broadcast_in_dim3A_87 : i32 to vector<8x128xi32>
    %slice3A_89 = vector.extract_strided_slice %add3A_86 {offsets = [0, 0], sizes = [8, 3968], strides = [1, 1]} : vector<8x4096xi32> to vector<8x3968xi32>
    %concatenate3A_90 = tpu.concatenate %broadcast_in_dim3A_88, %slice3A_89 in 1 : vector<8x128xi32>, vector<8x3968xi32> -> vector<8x4096xi32>
    %add3A_91 = arith.addi %add3A_86, %concatenate3A_90 : vector<8x4096xi32>
    %broadcast_in_dim3A_92 = arith.constant 0 : i32
    %broadcast_in_dim3A_93 = vector.broadcast %broadcast_in_dim3A_92 : i32 to vector<8x256xi32>
    %slice3A_94 = vector.extract_strided_slice %add3A_91 {offsets = [0, 0], sizes = [8, 3840], strides = [1, 1]} : vector<8x4096xi32> to vector<8x3840xi32>
    %concatenate3A_95 = tpu.concatenate %broadcast_in_dim3A_93, %slice3A_94 in 1 : vector<8x256xi32>, vector<8x3840xi32> -> vector<8x4096xi32>
    %add3A_96 = arith.addi %add3A_91, %concatenate3A_95 : vector<8x4096xi32>
    %broadcast_in_dim3A_97 = arith.constant 0 : i32
    %broadcast_in_dim3A_98 = vector.broadcast %broadcast_in_dim3A_97 : i32 to vector<8x512xi32>
    %slice3A_99 = vector.extract_strided_slice %add3A_96 {offsets = [0, 0], sizes = [8, 3584], strides = [1, 1]} : vector<8x4096xi32> to vector<8x3584xi32>
    %concatenate3A_100 = tpu.concatenate %broadcast_in_dim3A_98, %slice3A_99 in 1 : vector<8x512xi32>, vector<8x3584xi32> -> vector<8x4096xi32>
    %add3A_101 = arith.addi %add3A_96, %concatenate3A_100 : vector<8x4096xi32>
    %broadcast_in_dim3A_102 = arith.constant 0 : i32
    %broadcast_in_dim3A_103 = vector.broadcast %broadcast_in_dim3A_102 : i32 to vector<8x1024xi32>
    %slice3A_104 = vector.extract_strided_slice %add3A_101 {offsets = [0, 0], sizes = [8, 3072], strides = [1, 1]} : vector<8x4096xi32> to vector<8x3072xi32>
    %concatenate3A_105 = tpu.concatenate %broadcast_in_dim3A_103, %slice3A_104 in 1 : vector<8x1024xi32>, vector<8x3072xi32> -> vector<8x4096xi32>
    %add3A_106 = arith.addi %add3A_101, %concatenate3A_105 : vector<8x4096xi32>
    %broadcast_in_dim3A_107 = arith.constant 0 : i32
    %broadcast_in_dim3A_108 = vector.broadcast %broadcast_in_dim3A_107 : i32 to vector<8x2048xi32>
    %slice3A_109 = vector.extract_strided_slice %add3A_106 {offsets = [0, 0], sizes = [8, 2048], strides = [1, 1]} : vector<8x4096xi32> to vector<8x2048xi32>
    %concatenate3A_110 = tpu.concatenate %broadcast_in_dim3A_108, %slice3A_109 in 1 : vector<8x2048xi32>, vector<8x2048xi32> -> vector<8x4096xi32>
    %add3A_111 = arith.addi %add3A_106, %concatenate3A_110 : vector<8x4096xi32>
    %broadcast_in_dim3A_112 = arith.constant 0 : i32
    %broadcast_in_dim3A_113 = vector.broadcast %broadcast_in_dim3A_112 : i32 to vector<8x1xi32>
    %slice3A_114 = vector.extract_strided_slice %convert_element_type3A_51 {offsets = [0, 0], sizes = [8, 4095], strides = [1, 1]} : vector<8x4096xi32> to vector<8x4095xi32>
    %concatenate3A_115 = tpu.concatenate %broadcast_in_dim3A_113, %slice3A_114 in 1 : vector<8x1xi32>, vector<8x4095xi32> -> vector<8x4096xi32>
    %add3A_116 = arith.addi %convert_element_type3A_51, %concatenate3A_115 : vector<8x4096xi32>
    %broadcast_in_dim3A_117 = arith.constant 0 : i32
    %broadcast_in_dim3A_118 = vector.broadcast %broadcast_in_dim3A_117 : i32 to vector<8x2xi32>
    %slice3A_119 = vector.extract_strided_slice %add3A_116 {offsets = [0, 0], sizes = [8, 4094], strides = [1, 1]} : vector<8x4096xi32> to vector<8x4094xi32>
    %concatenate3A_120 = tpu.concatenate %broadcast_in_dim3A_118, %slice3A_119 in 1 : vector<8x2xi32>, vector<8x4094xi32> -> vector<8x4096xi32>
    %add3A_121 = arith.addi %add3A_116, %concatenate3A_120 : vector<8x4096xi32>
    %broadcast_in_dim3A_122 = arith.constant 0 : i32
    %broadcast_in_dim3A_123 = vector.broadcast %broadcast_in_dim3A_122 : i32 to vector<8x4xi32>
    %slice3A_124 = vector.extract_strided_slice %add3A_121 {offsets = [0, 0], sizes = [8, 4092], strides = [1, 1]} : vector<8x4096xi32> to vector<8x4092xi32>
    %concatenate3A_125 = tpu.concatenate %broadcast_in_dim3A_123, %slice3A_124 in 1 : vector<8x4xi32>, vector<8x4092xi32> -> vector<8x4096xi32>
    %add3A_126 = arith.addi %add3A_121, %concatenate3A_125 : vector<8x4096xi32>
    %broadcast_in_dim3A_127 = arith.constant 0 : i32
    %broadcast_in_dim3A_128 = vector.broadcast %broadcast_in_dim3A_127 : i32 to vector<8x8xi32>
    %slice3A_129 = vector.extract_strided_slice %add3A_126 {offsets = [0, 0], sizes = [8, 4088], strides = [1, 1]} : vector<8x4096xi32> to vector<8x4088xi32>
    %concatenate3A_130 = tpu.concatenate %broadcast_in_dim3A_128, %slice3A_129 in 1 : vector<8x8xi32>, vector<8x4088xi32> -> vector<8x4096xi32>
    %add3A_131 = arith.addi %add3A_126, %concatenate3A_130 : vector<8x4096xi32>
    %broadcast_in_dim3A_132 = arith.constant 0 : i32
    %broadcast_in_dim3A_133 = vector.broadcast %broadcast_in_dim3A_132 : i32 to vector<8x16xi32>
    %slice3A_134 = vector.extract_strided_slice %add3A_131 {offsets = [0, 0], sizes = [8, 4080], strides = [1, 1]} : vector<8x4096xi32> to vector<8x4080xi32>
    %concatenate3A_135 = tpu.concatenate %broadcast_in_dim3A_133, %slice3A_134 in 1 : vector<8x16xi32>, vector<8x4080xi32> -> vector<8x4096xi32>
    %add3A_136 = arith.addi %add3A_131, %concatenate3A_135 : vector<8x4096xi32>
    %broadcast_in_dim3A_137 = arith.constant 0 : i32
    %broadcast_in_dim3A_138 = vector.broadcast %broadcast_in_dim3A_137 : i32 to vector<8x32xi32>
    %slice3A_139 = vector.extract_strided_slice %add3A_136 {offsets = [0, 0], sizes = [8, 4064], strides = [1, 1]} : vector<8x4096xi32> to vector<8x4064xi32>
    %concatenate3A_140 = tpu.concatenate %broadcast_in_dim3A_138, %slice3A_139 in 1 : vector<8x32xi32>, vector<8x4064xi32> -> vector<8x4096xi32>
    %add3A_141 = arith.addi %add3A_136, %concatenate3A_140 : vector<8x4096xi32>
    %broadcast_in_dim3A_142 = arith.constant 0 : i32
    %broadcast_in_dim3A_143 = vector.broadcast %broadcast_in_dim3A_142 : i32 to vector<8x64xi32>
    %slice3A_144 = vector.extract_strided_slice %add3A_141 {offsets = [0, 0], sizes = [8, 4032], strides = [1, 1]} : vector<8x4096xi32> to vector<8x4032xi32>
    %concatenate3A_145 = tpu.concatenate %broadcast_in_dim3A_143, %slice3A_144 in 1 : vector<8x64xi32>, vector<8x4032xi32> -> vector<8x4096xi32>
    %add3A_146 = arith.addi %add3A_141, %concatenate3A_145 : vector<8x4096xi32>
    %broadcast_in_dim3A_147 = arith.constant 0 : i32
    %broadcast_in_dim3A_148 = vector.broadcast %broadcast_in_dim3A_147 : i32 to vector<8x128xi32>
    %slice3A_149 = vector.extract_strided_slice %add3A_146 {offsets = [0, 0], sizes = [8, 3968], strides = [1, 1]} : vector<8x4096xi32> to vector<8x3968xi32>
    %concatenate3A_150 = tpu.concatenate %broadcast_in_dim3A_148, %slice3A_149 in 1 : vector<8x128xi32>, vector<8x3968xi32> -> vector<8x4096xi32>
    %add3A_151 = arith.addi %add3A_146, %concatenate3A_150 : vector<8x4096xi32>
    %broadcast_in_dim3A_152 = arith.constant 0 : i32
    %broadcast_in_dim3A_153 = vector.broadcast %broadcast_in_dim3A_152 : i32 to vector<8x256xi32>
    %slice3A_154 = vector.extract_strided_slice %add3A_151 {offsets = [0, 0], sizes = [8, 3840], strides = [1, 1]} : vector<8x4096xi32> to vector<8x3840xi32>
    %concatenate3A_155 = tpu.concatenate %broadcast_in_dim3A_153, %slice3A_154 in 1 : vector<8x256xi32>, vector<8x3840xi32> -> vector<8x4096xi32>
    %add3A_156 = arith.addi %add3A_151, %concatenate3A_155 : vector<8x4096xi32>
    %broadcast_in_dim3A_157 = arith.constant 0 : i32
    %broadcast_in_dim3A_158 = vector.broadcast %broadcast_in_dim3A_157 : i32 to vector<8x512xi32>
    %slice3A_159 = vector.extract_strided_slice %add3A_156 {offsets = [0, 0], sizes = [8, 3584], strides = [1, 1]} : vector<8x4096xi32> to vector<8x3584xi32>
    %concatenate3A_160 = tpu.concatenate %broadcast_in_dim3A_158, %slice3A_159 in 1 : vector<8x512xi32>, vector<8x3584xi32> -> vector<8x4096xi32>
    %add3A_161 = arith.addi %add3A_156, %concatenate3A_160 : vector<8x4096xi32>
    %broadcast_in_dim3A_162 = arith.constant 0 : i32
    %broadcast_in_dim3A_163 = vector.broadcast %broadcast_in_dim3A_162 : i32 to vector<8x1024xi32>
    %slice3A_164 = vector.extract_strided_slice %add3A_161 {offsets = [0, 0], sizes = [8, 3072], strides = [1, 1]} : vector<8x4096xi32> to vector<8x3072xi32>
    %concatenate3A_165 = tpu.concatenate %broadcast_in_dim3A_163, %slice3A_164 in 1 : vector<8x1024xi32>, vector<8x3072xi32> -> vector<8x4096xi32>
    %add3A_166 = arith.addi %add3A_161, %concatenate3A_165 : vector<8x4096xi32>
    %broadcast_in_dim3A_167 = arith.constant 0 : i32
    %broadcast_in_dim3A_168 = vector.broadcast %broadcast_in_dim3A_167 : i32 to vector<8x2048xi32>
    %slice3A_169 = vector.extract_strided_slice %add3A_166 {offsets = [0, 0], sizes = [8, 2048], strides = [1, 1]} : vector<8x4096xi32> to vector<8x2048xi32>
    %concatenate3A_170 = tpu.concatenate %broadcast_in_dim3A_168, %slice3A_169 in 1 : vector<8x2048xi32>, vector<8x2048xi32> -> vector<8x4096xi32>
    %add3A_171 = arith.addi %add3A_166, %concatenate3A_170 : vector<8x4096xi32>
    %slice3A_172 = vector.extract_strided_slice %add3A_111 {offsets = [0, 4095], sizes = [8, 1], strides = [1, 1]} : vector<8x4096xi32> to vector<8x1xi32>
    %slice3A_173 = vector.extract_strided_slice %add3A_171 {offsets = [0, 4095], sizes = [8, 1], strides = [1, 1]} : vector<8x4096xi32> to vector<8x1xi32>
    %add3A_174 = arith.addi %slice3A_172, %slice3A_173 : vector<8x1xi32>
    %add3A_175 = arith.constant 511 : i32
    %add3A_176 = vector.broadcast %add3A_175 : i32 to vector<8x1xi32>
    %add3A_177 = arith.addi %add3A_174, %add3A_176 : vector<8x1xi32>
    %shift_right_arithmetic3A = arith.constant 9 : i32
    %shift_right_arithmetic3A_178 = vector.broadcast %shift_right_arithmetic3A : i32 to vector<8x1xi32>
    %shift_right_arithmetic3A_179 = arith.shrsi %add3A_177, %shift_right_arithmetic3A_178 : vector<8x1xi32>
    %broadcast_in_dim3A_180 = arith.constant 0 : i32
    %broadcast_in_dim3A_181 = vector.broadcast %broadcast_in_dim3A_180 : i32 to vector<1x1xi32>
    %slice3A_182 = vector.extract_strided_slice %shift_right_arithmetic3A_179 {offsets = [0, 0], sizes = [7, 1], strides = [1, 1]} : vector<8x1xi32> to vector<7x1xi32>
    %concatenate3A_183 = tpu.concatenate %broadcast_in_dim3A_181, %slice3A_182 in 0 : vector<1x1xi32>, vector<7x1xi32> -> vector<8x1xi32>
    %add3A_184 = arith.addi %shift_right_arithmetic3A_179, %concatenate3A_183 : vector<8x1xi32>
    %broadcast_in_dim3A_185 = arith.constant 0 : i32
    %broadcast_in_dim3A_186 = vector.broadcast %broadcast_in_dim3A_185 : i32 to vector<2x1xi32>
    %slice3A_187 = vector.extract_strided_slice %add3A_184 {offsets = [0, 0], sizes = [6, 1], strides = [1, 1]} : vector<8x1xi32> to vector<6x1xi32>
    %concatenate3A_188 = tpu.concatenate %broadcast_in_dim3A_186, %slice3A_187 in 0 : vector<2x1xi32>, vector<6x1xi32> -> vector<8x1xi32>
    %add3A_189 = arith.addi %add3A_184, %concatenate3A_188 : vector<8x1xi32>
    %broadcast_in_dim3A_190 = arith.constant 0 : i32
    %broadcast_in_dim3A_191 = vector.broadcast %broadcast_in_dim3A_190 : i32 to vector<4x1xi32>
    %slice3A_192 = vector.extract_strided_slice %add3A_189 {offsets = [0, 0], sizes = [4, 1], strides = [1, 1]} : vector<8x1xi32> to vector<4x1xi32>
    %concatenate3A_193 = tpu.concatenate %broadcast_in_dim3A_191, %slice3A_192 in 0 : vector<4x1xi32>, vector<4x1xi32> -> vector<8x1xi32>
    %add3A_194 = arith.addi %add3A_189, %concatenate3A_193 : vector<8x1xi32>
    %sub3A_195 = arith.subi %add3A_194, %shift_right_arithmetic3A_179 : vector<8x1xi32>
    %mul3A = arith.constant 512 : i32
    %mul3A_196 = vector.broadcast %mul3A : i32 to vector<8x1xi32>
    %mul3A_197 = arith.muli %sub3A_195, %mul3A_196 : vector<8x1xi32>
    %sub3A_198 = arith.subi %add3A_111, %convert_element_type3A_50 : vector<8x4096xi32>
    %add3A_199 = vector.broadcast %mul3A_197 : vector<8x1xi32> to vector<8x4096xi32>
    %add3A_200 = arith.addi %add3A_199, %sub3A_198 : vector<8x4096xi32>
    %add3A_201 = arith.addi %mul3A_197, %slice3A_172 : vector<8x1xi32>
    %sub3A_202 = arith.subi %add3A_171, %convert_element_type3A_51 : vector<8x4096xi32>
    %add3A_203 = vector.broadcast %add3A_201 : vector<8x1xi32> to vector<8x4096xi32>
    %add3A_204 = arith.addi %add3A_203, %sub3A_202 : vector<8x4096xi32>
    %mul3A_205 = arith.muli %convert_element_type3A_50, %add3A_200 : vector<8x4096xi32>
    %reduce_sum3A = arith.constant dense<0> : vector<4096xi32>
    %reduce_sum3A_206 = vector.multi_reduction <add>, %mul3A_205, %reduce_sum3A [0] : vector<8x4096xi32> to vector<4096xi32>
    %broadcast_in_dim3A_207 = vector.shape_cast %reduce_sum3A_206 : vector<4096xi32> to vector<1x4096xi32>
    %mul3A_208 = arith.muli %convert_element_type3A_51, %add3A_204 : vector<8x4096xi32>
    %reduce_sum3A_209 = arith.constant dense<0> : vector<4096xi32>
    %reduce_sum3A_210 = vector.multi_reduction <add>, %mul3A_208, %reduce_sum3A_209 [0] : vector<8x4096xi32> to vector<4096xi32>
    %broadcast_in_dim3A_211 = vector.shape_cast %reduce_sum3A_210 : vector<4096xi32> to vector<1x4096xi32>
    %concatenate3A_212 = tpu.concatenate %broadcast_in_dim3A_207, %broadcast_in_dim3A_211 in 0 : vector<1x4096xi32>, vector<1x4096xi32> -> vector<2x4096xi32>
    %swap3A_213 = arith.constant 0 : index
    %swap3A_214 = arith.constant 0 : index
    %swap3A_215 = vector.load %arg3[%swap3A_213, %swap3A_214] : memref<2x4096xi32, #tpu.memory_space<vmem>>, vector<2x4096xi32>
    tpu.vector_store %arg3[%swap3A_213, %swap3A_214], %concatenate3A_212 {strides = array<i32>} : memref<2x4096xi32, #tpu.memory_space<vmem>>, vector<2x4096xi32>,
    %iota3A_216 = tpu.iota {dimensions = array<i32: 1>} : vector<8x128xi32>
    %ge3A = vector.broadcast %sub3A_195 : vector<8x1xi32> to vector<8x128xi32>
    %ge3A_217 = arith.cmpi sge, %iota3A_216, %ge3A : vector<8x128xi32>
    %convert_element_type3A_218 = arith.extui %ge3A_217 : vector<8x128xi1> to vector<8x128xi32>
    %reduce_sum3A_219 = arith.constant dense<0> : vector<128xi32>
    %reduce_sum3A_220 = vector.multi_reduction <add>, %convert_element_type3A_218, %reduce_sum3A_219 [0] : vector<8x128xi32> to vector<128xi32>
    %broadcast_in_dim3A_221 = vector.shape_cast %reduce_sum3A_220 : vector<128xi32> to vector<1x128xi32>
    %sub3A_222 = arith.constant 1 : i32
    %sub3A_223 = vector.broadcast %sub3A_222 : i32 to vector<1x128xi32>
    %sub3A_224 = arith.subi %broadcast_in_dim3A_221, %sub3A_223 : vector<1x128xi32>
    %iota3A_225 = tpu.iota {dimensions = array<i32: 1>} : vector<1x128xi32>
    %slice3A_226 = vector.extract_strided_slice %add3A_194 {offsets = [7, 0], sizes = [1, 1], strides = [1, 1]} : vector<8x1xi32> to vector<1x1xi32>
    %eq3A_227 = arith.constant 127 : i32
    %eq3A_228 = vector.broadcast %eq3A_227 : i32 to vector<1x128xi32>
    %eq3A_229 = arith.cmpi eq, %iota3A_225, %eq3A_228 : vector<1x128xi32>
    %broadcast_in_dim3A_230 = vector.shape_cast %slice3A_226 : vector<1x1xi32> to vector<1x1xi32>
    %broadcast_in_dim3A_231 = vector.broadcast %broadcast_in_dim3A_230 : vector<1x1xi32> to vector<1x128xi32>
    %select_n3A_232 = arith.select %eq3A_229, %broadcast_in_dim3A_231, %sub3A_224 : vector<1x128xi1>, vector<1x128xi32>
    %swap3A_233 = arith.constant 0 : index
    %swap3A_234 = arith.constant 0 : index
    %swap3A_235 = vector.load %arg5[%swap3A_233, %swap3A_234] : memref<1x128xi32, #tpu.memory_space<vmem>>, vector<1x128xi32>
    tpu.vector_store %arg5[%swap3A_233, %swap3A_234], %select_n3A_232 {strides = array<i32>} : memref<1x128xi32, #tpu.memory_space<vmem>>, vector<1x128xi32>,
    return
  }
}

module attributes {stable_mosaic.version = 14 : i64} {
  func.func @_expert_body(%arg0: i32, %arg1: memref<128xi32, #tpu.memory_space<smem>>, %arg2: memref<512x512xi32, #tpu.memory_space<vmem>>, %arg3: memref<1x1024x1024xbf16, #tpu.memory_space<vmem>>, %arg4: memref<1x1x1024xf32, #tpu.memory_space<vmem>>, %arg5: memref<512x512xi32, #tpu.memory_space<vmem>>) attributes {dimension_semantics = [#tpu.dimension_semantics<arbitrary>], iteration_bounds = array<i64: 23>, scalar_prefetch = 1 : i64, scratch_operands = 0 : i64, tpu.core_type = #tpu.core_type<tc>, window_params = [{transform_indices = @transform_0, window_bounds = array<i64: 512, 512>}, {transform_indices = @transform_1, window_bounds = array<i64: 1, 1024, 1024>}, {transform_indices = @transform_2, window_bounds = array<i64: 1, 1, 1024>}, {transform_indices = @transform_3, window_bounds = array<i64: 512, 512>}]} {
    %get3A = arith.constant 127 : index
    %get3A_0 = memref.load %arg1[%get3A] : memref<128xi32, #tpu.memory_space<smem>>
    %lt3A = arith.cmpi slt, %arg0, %get3A_0 : i32
    %convert_element_type3A = arith.extui %lt3A : i1 to i32
    %cond3A = arith.constant 0 : i32
    %cond3A_1 = arith.cmpi ne, %convert_element_type3A, %cond3A : i32
    scf.if %cond3A_1 {
      %get3A_2 = arith.constant 0 : index
      %get3A_3 = arith.constant 0 : index
      %get3A_4 = vector.load %arg2[%get3A_2, %get3A_3] : memref<512x512xi32, #tpu.memory_space<vmem>>, vector<512x512xi32>
      %unpack_elementwise3A = tpu.unpack_elementwise %get3A_4, 0 {source_type = bf16} : vector<512x512xi32> -> vector<512x512xf32>
      %unpack_elementwise3A_5 = tpu.unpack_elementwise %get3A_4, 1 {source_type = bf16} : vector<512x512xi32> -> vector<512x512xf32>
      %concatenate3A = tpu.concatenate %unpack_elementwise3A, %unpack_elementwise3A_5 in 1 : vector<512x512xf32>, vector<512x512xf32> -> vector<512x1024xf32>
      %convert_element_type3A_6 = arith.truncf %concatenate3A : vector<512x1024xf32> to vector<512x1024xbf16>
      %get3A_7 = arith.constant 0 : index
      %get3A_8 = arith.constant 0 : index
      %get3A_9 = arith.constant 0 : index
      %get3A_10 = vector.load %arg3[%get3A_7, %get3A_8, %get3A_9] : memref<1x1024x1024xbf16, #tpu.memory_space<vmem>>, vector<1x1024x1024xbf16>
      %get3A_11 = vector.shape_cast %get3A_10 : vector<1x1024x1024xbf16> to vector<1024x1024xbf16>
      %dot_general3A = arith.constant dense<0.000000e+00> : vector<512x1024xf32>
      %dot_general3A_12 = tpu.matmul %convert_element_type3A_6, %get3A_11, %dot_general3A {dimension_numbers = #tpu.dot_dimension_numbers<[1], [1], [0], [0], [0, 0, 1, 0], [], []>, transpose_lhs_hint = false} : vector<512x1024xbf16>, vector<1024x1024xbf16>, vector<512x1024xf32> -> vector<512x1024xf32>
      %get3A_13 = arith.constant 0 : index
      %get3A_14 = arith.constant 0 : index
      %get3A_15 = arith.constant 0 : index
      %get3A_16 = vector.load %arg4[%get3A_13, %get3A_14, %get3A_15] : memref<1x1x1024xf32, #tpu.memory_space<vmem>>, vector<1x1x1024xf32>
      %get3A_17 = vector.shape_cast %get3A_16 : vector<1x1x1024xf32> to vector<1x1024xf32>
      %add3A = vector.broadcast %get3A_17 : vector<1x1024xf32> to vector<512x1024xf32>
      %add3A_18 = arith.addf %dot_general3A_12, %add3A : vector<512x1024xf32>
      %mul3A = arith.constant 5.000000e-01 : f32
      %mul3A_19 = vector.broadcast %mul3A : f32 to vector<512x1024xf32>
      %mul3A_20 = arith.mulf %mul3A_19, %add3A_18 : vector<512x1024xf32>
      %tanh3A = math.tanh %mul3A_20 : vector<512x1024xf32>
      %mul3A_21 = arith.constant 5.000000e-01 : f32
      %mul3A_22 = vector.broadcast %mul3A_21 : f32 to vector<512x1024xf32>
      %mul3A_23 = arith.mulf %mul3A_22, %tanh3A : vector<512x1024xf32>
      %add3A_24 = arith.constant 5.000000e-01 : f32
      %add3A_25 = vector.broadcast %add3A_24 : f32 to vector<512x1024xf32>
      %add3A_26 = arith.addf %mul3A_23, %add3A_25 : vector<512x1024xf32>
      %mul3A_27 = arith.mulf %add3A_18, %add3A_26 : vector<512x1024xf32>
      %convert_element_type3A_28 = arith.truncf %mul3A_27 : vector<512x1024xf32> to vector<512x1024xbf16>
      %convert_element_type3A_29 = arith.extf %convert_element_type3A_28 : vector<512x1024xbf16> to vector<512x1024xf32>
      %slice3A = vector.extract_strided_slice %convert_element_type3A_29 {offsets = [0, 0], sizes = [512, 512], strides = [1, 1]} : vector<512x1024xf32> to vector<512x512xf32>
      %slice3A_30 = vector.extract_strided_slice %convert_element_type3A_29 {offsets = [0, 512], sizes = [512, 512], strides = [1, 1]} : vector<512x1024xf32> to vector<512x512xf32>
      %pack_elementwise3A = tpu.pack_elementwise %slice3A, %slice3A_30 {target_type = bf16} : vector<512x512xf32>, vector<512x512xf32> -> vector<512x512xi32>
      %swap3A = arith.constant 0 : index
      %swap3A_31 = arith.constant 0 : index
      %swap3A_32 = vector.load %arg5[%swap3A, %swap3A_31] : memref<512x512xi32, #tpu.memory_space<vmem>>, vector<512x512xi32>
      tpu.vector_store %arg5[%swap3A, %swap3A_31], %pack_elementwise3A {strides = array<i32>} : memref<512x512xi32, #tpu.memory_space<vmem>>, vector<512x512xi32>,
    } else {
    }
    return
  }
  func.func @transform_0(%arg0: i32, %arg1: memref<128xi32, #tpu.memory_space<smem>>) -> (i32, i32) {
    %c0_i32 = arith.constant 0 : i32
    %c0_i32_0 = arith.constant 0 : i32
    return %arg0, %c0_i32 : i32, i32
  }
  func.func @transform_1(%arg0: i32, %arg1: memref<128xi32, #tpu.memory_space<smem>>) -> (i32, i32, i32) {
    %get3A = arith.index_cast %arg0 : i32 to index
    %get3A_0 = memref.load %arg1[%get3A] : memref<128xi32, #tpu.memory_space<smem>>
    %c0_i32 = arith.constant 0 : i32
    %c0_i32_1 = arith.constant 0 : i32
    %c0_i32_2 = arith.constant 0 : i32
    return %get3A_0, %c0_i32, %c0_i32_1 : i32, i32, i32
  }
  func.func @transform_2(%arg0: i32, %arg1: memref<128xi32, #tpu.memory_space<smem>>) -> (i32, i32, i32) {
    %get3A = arith.index_cast %arg0 : i32 to index
    %get3A_0 = memref.load %arg1[%get3A] : memref<128xi32, #tpu.memory_space<smem>>
    %c0_i32 = arith.constant 0 : i32
    %c0_i32_1 = arith.constant 0 : i32
    %c0_i32_2 = arith.constant 0 : i32
    return %get3A_0, %c0_i32, %c0_i32_1 : i32, i32, i32
  }
  func.func @transform_3(%arg0: i32, %arg1: memref<128xi32, #tpu.memory_space<smem>>) -> (i32, i32) {
    %c0_i32 = arith.constant 0 : i32
    %c0_i32_0 = arith.constant 0 : i32
    return %arg0, %c0_i32 : i32, i32
  }
}

module attributes {stable_mosaic.version = 14 : i64} {
  func.func @_output_body(%arg0: i32, %arg1: memref<512x1024xf32, #tpu.memory_space<vmem>>, %arg2: memref<2x512x512xi32, #tpu.memory_space<vmem>>, %arg3: memref<512x2xf32, #tpu.memory_space<vmem>>, %arg4: memref<1024x1024xbf16, #tpu.memory_space<vmem>>, %arg5: memref<1x1024xf32, #tpu.memory_space<vmem>>, %arg6: memref<1x1024xf32, #tpu.memory_space<vmem>>, %arg7: memref<512x1024xf32, #tpu.memory_space<vmem>>) attributes {dimension_semantics = [#tpu.dimension_semantics<arbitrary>], iteration_bounds = array<i64: 8>, scalar_prefetch = 0 : i64, scratch_operands = 0 : i64, tpu.core_type = #tpu.core_type<tc>, window_params = [{transform_indices = @transform_0, window_bounds = array<i64: 512, 1024>}, {transform_indices = @transform_1, window_bounds = array<i64: 2, 512, 512>}, {transform_indices = @transform_2, window_bounds = array<i64: 512, 2>}, {pipeline_mode = #tpu.pipeline_mode<synchronous>, transform_indices = @transform_3, window_bounds = array<i64: 1024, 1024>}, {pipeline_mode = #tpu.pipeline_mode<synchronous>, transform_indices = @transform_4, window_bounds = array<i64: 1, 1024>}, {pipeline_mode = #tpu.pipeline_mode<synchronous>, transform_indices = @transform_5, window_bounds = array<i64: 1, 1024>}, {transform_indices = @transform_6, window_bounds = array<i64: 512, 1024>}]} {
    %get3A = arith.constant 0 : index
    %get3A_0 = arith.constant 0 : index
    %get3A_1 = arith.constant 0 : index
    %get3A_2 = vector.load %arg2[%get3A, %get3A_0, %get3A_1] : memref<2x512x512xi32, #tpu.memory_space<vmem>>, vector<1x512x512xi32>
    %get3A_3 = vector.shape_cast %get3A_2 : vector<1x512x512xi32> to vector<512x512xi32>
    %unpack_elementwise3A = tpu.unpack_elementwise %get3A_3, 0 {source_type = bf16} : vector<512x512xi32> -> vector<512x512xf32>
    %unpack_elementwise3A_4 = tpu.unpack_elementwise %get3A_3, 1 {source_type = bf16} : vector<512x512xi32> -> vector<512x512xf32>
    %concatenate3A = tpu.concatenate %unpack_elementwise3A, %unpack_elementwise3A_4 in 1 : vector<512x512xf32>, vector<512x512xf32> -> vector<512x1024xf32>
    %get3A_5 = arith.constant 0 : index
    %get3A_6 = arith.constant 0 : index
    %get3A_7 = vector.load %arg3[%get3A_5, %get3A_6] : memref<512x2xf32, #tpu.memory_space<vmem>>, vector<512x1xf32>
    %mul3A = vector.broadcast %get3A_7 : vector<512x1xf32> to vector<512x1024xf32>
    %mul3A_8 = arith.mulf %concatenate3A, %mul3A : vector<512x1024xf32>
    %get3A_9 = arith.constant 1 : index
    %get3A_10 = arith.constant 0 : index
    %get3A_11 = arith.constant 0 : index
    %get3A_12 = vector.load %arg2[%get3A_9, %get3A_10, %get3A_11] : memref<2x512x512xi32, #tpu.memory_space<vmem>>, vector<1x512x512xi32>
    %get3A_13 = vector.shape_cast %get3A_12 : vector<1x512x512xi32> to vector<512x512xi32>
    %unpack_elementwise3A_14 = tpu.unpack_elementwise %get3A_13, 0 {source_type = bf16} : vector<512x512xi32> -> vector<512x512xf32>
    %unpack_elementwise3A_15 = tpu.unpack_elementwise %get3A_13, 1 {source_type = bf16} : vector<512x512xi32> -> vector<512x512xf32>
    %concatenate3A_16 = tpu.concatenate %unpack_elementwise3A_14, %unpack_elementwise3A_15 in 1 : vector<512x512xf32>, vector<512x512xf32> -> vector<512x1024xf32>
    %get3A_17 = arith.constant 0 : index
    %get3A_18 = arith.constant 1 : index
    %get3A_19 = vector.load %arg3[%get3A_17, %get3A_18] : memref<512x2xf32, #tpu.memory_space<vmem>>, vector<512x1xf32>
    %mul3A_20 = vector.broadcast %get3A_19 : vector<512x1xf32> to vector<512x1024xf32>
    %mul3A_21 = arith.mulf %concatenate3A_16, %mul3A_20 : vector<512x1024xf32>
    %add3A = arith.addf %mul3A_8, %mul3A_21 : vector<512x1024xf32>
    %convert_element_type3A = arith.truncf %add3A : vector<512x1024xf32> to vector<512x1024xbf16>
    %get3A_22 = arith.constant 0 : index
    %get3A_23 = arith.constant 0 : index
    %get3A_24 = vector.load %arg4[%get3A_22, %get3A_23] : memref<1024x1024xbf16, #tpu.memory_space<vmem>>, vector<1024x1024xbf16>
    %dot_general3A = arith.constant dense<0.000000e+00> : vector<512x1024xf32>
    %dot_general3A_25 = tpu.matmul %convert_element_type3A, %get3A_24, %dot_general3A {dimension_numbers = #tpu.dot_dimension_numbers<[1], [1], [0], [0], [0, 0, 1, 0], [], []>, transpose_lhs_hint = false} : vector<512x1024xbf16>, vector<1024x1024xbf16>, vector<512x1024xf32> -> vector<512x1024xf32>
    %get3A_26 = arith.constant 0 : index
    %get3A_27 = arith.constant 0 : index
    %get3A_28 = vector.load %arg5[%get3A_26, %get3A_27] : memref<1x1024xf32, #tpu.memory_space<vmem>>, vector<1x1024xf32>
    %add3A_29 = vector.broadcast %get3A_28 : vector<1x1024xf32> to vector<512x1024xf32>
    %add3A_30 = arith.addf %dot_general3A_25, %add3A_29 : vector<512x1024xf32>
    %get3A_31 = arith.constant 0 : index
    %get3A_32 = arith.constant 0 : index
    %get3A_33 = vector.load %arg1[%get3A_31, %get3A_32] : memref<512x1024xf32, #tpu.memory_space<vmem>>, vector<512x1024xf32>
    %add3A_34 = arith.addf %get3A_33, %add3A_30 : vector<512x1024xf32>
    %mul3A_35 = arith.mulf %add3A_34, %add3A_34 : vector<512x1024xf32>
    %reduce_sum3A = arith.constant dense<0.000000e+00> : vector<512xf32>
    %reduce_sum3A_36 = vector.multi_reduction <add>, %mul3A_35, %reduce_sum3A [1] : vector<512x1024xf32> to vector<512xf32>
    %broadcast_in_dim3A = vector.shape_cast %reduce_sum3A_36 : vector<512xf32> to vector<512x1xf32>
    %div3A = arith.constant 1.024000e+03 : f32
    %div3A_37 = vector.broadcast %div3A : f32 to vector<512x1xf32>
    %div3A_38 = arith.divf %broadcast_in_dim3A, %div3A_37 : vector<512x1xf32>
    %get3A_39 = arith.constant 0 : index
    %get3A_40 = arith.constant 0 : index
    %get3A_41 = vector.load %arg6[%get3A_39, %get3A_40] : memref<1x1024xf32, #tpu.memory_space<vmem>>, vector<1x1024xf32>
    %add3A_42 = arith.constant 9.99999997E-7 : f32
    %add3A_43 = vector.broadcast %add3A_42 : f32 to vector<512x1xf32>
    %add3A_44 = arith.addf %div3A_38, %add3A_43 : vector<512x1xf32>
    %rsqrt3A = math.rsqrt %add3A_44 : vector<512x1xf32>
    %mul3A_45 = vector.broadcast %rsqrt3A : vector<512x1xf32> to vector<512x1024xf32>
    %mul3A_46 = arith.mulf %add3A_34, %mul3A_45 : vector<512x1024xf32>
    %mul3A_47 = vector.broadcast %get3A_41 : vector<1x1024xf32> to vector<512x1024xf32>
    %mul3A_48 = arith.mulf %mul3A_47, %mul3A_46 : vector<512x1024xf32>
    %swap3A = arith.constant 0 : index
    %swap3A_49 = arith.constant 0 : index
    %swap3A_50 = vector.load %arg7[%swap3A, %swap3A_49] : memref<512x1024xf32, #tpu.memory_space<vmem>>, vector<512x1024xf32>
    tpu.vector_store %arg7[%swap3A, %swap3A_49], %mul3A_48 {strides = array<i32>} : memref<512x1024xf32, #tpu.memory_space<vmem>>, vector<512x1024xf32>,
    return
  }
  func.func @transform_0(%arg0: i32) -> (i32, i32) {
    %c0_i32 = arith.constant 0 : i32
    %c0_i32_0 = arith.constant 0 : i32
    return %arg0, %c0_i32 : i32, i32
  }
  func.func @transform_1(%arg0: i32) -> (i32, i32, i32) {
    %c0_i32 = arith.constant 0 : i32
    %c0_i32_0 = arith.constant 0 : i32
    %c0_i32_1 = arith.constant 0 : i32
    return %c0_i32, %arg0, %c0_i32_0 : i32, i32, i32
  }
  func.func @transform_2(%arg0: i32) -> (i32, i32) {
    %c0_i32 = arith.constant 0 : i32
    %c0_i32_0 = arith.constant 0 : i32
    return %arg0, %c0_i32 : i32, i32
  }
  func.func @transform_3(%arg0: i32) -> (i32, i32) {
    %c0_i32 = arith.constant 0 : i32
    %c0_i32_0 = arith.constant 0 : i32
    %c0_i32_1 = arith.constant 0 : i32
    return %c0_i32, %c0_i32_0 : i32, i32
  }
  func.func @transform_4(%arg0: i32) -> (i32, i32) {
    %c0_i32 = arith.constant 0 : i32
    %c0_i32_0 = arith.constant 0 : i32
    %c0_i32_1 = arith.constant 0 : i32
    return %c0_i32, %c0_i32_0 : i32, i32
  }
  func.func @transform_5(%arg0: i32) -> (i32, i32) {
    %c0_i32 = arith.constant 0 : i32
    %c0_i32_0 = arith.constant 0 : i32
    %c0_i32_1 = arith.constant 0 : i32
    return %c0_i32, %c0_i32_0 : i32, i32
  }
  func.func @transform_6(%arg0: i32) -> (i32, i32) {
    %c0_i32 = arith.constant 0 : i32
    %c0_i32_0 = arith.constant 0 : i32
    return %arg0, %c0_i32 : i32, i32
  }
}

</mosaic_0001>

<sc_bundles>
// kernel: kernel.10.cloned.1.call-start
scs
__scs_entry_jumppad:
0x0: {  	(pc) =	sbr.rel $0x88, $3  }
0x1: {  	(tag) =	ssettag $0x0;
	lr =	simm.s32 $0x1  }
0x2: {  	[smem:$0x3F99] =	sst lr;
	_ =	strace $0xD0000000  }
0x3: {  	_ = 	snop  }
0x4: {  	_ = 	snop  }
0x5: {  	_ = 	snop  }
0x6: {  	_ = 	snop  }
0x7: {  	_ = 	snop  }
__scs_overlays_trampoline_lowered:
0x8: {  	[smem:$0x3FA8] =	sst s0  }
0x9: {  	[smem:$0x3FA9] =	sst s1  }
0xa: {  	[smem:$0x3FAA] =	sst s2  }
0xb: {  	[smem:$0x3FAB] =	sst s3  }
0xc: {  	[smem:$0x3FAC] =	sst s4  }
0xd: {  	[smem:$0x3FAD] =	sst s5  }
0xe: {  	[smem:$0x3FAE] =	sst s6  }
0xf: {  	[smem:$0x3FAF] =	sst s7  }
0x10: {  	[smem:$0x3FB0] =	sst s8  }
0x11: {  	[smem:$0x3FB1] =	sst s9;
	s0 =	simm.s32 @!p0 $0x0  }
0x12: {  	s1 =	sld [smem:$0x3F97];
	s0 =	simm.s32 @p0 $0x1  }
0x13: {  	[smem:$0x3FB2] =	sst s0;
	s0 =	simm.s32 @!p1 $0x0  }
0x14: {  	s2 =	sld [smem:$0x3F96];
	s0 =	simm.s32 @p1 $0x1  }
0x15: {  	[smem:$0x3FB3] =	sst s0;
	s0 =	simm.s32 @!p2 $0x0  }
0x16: {  	s3 =	sld [smem:$0x3FDB];
	s0 =	simm.s32 @p2 $0x1  }
0x17: {  	s4 =	simm.s32 $0x1BF5;
	[smem:$0x3FB5] =	sst s0  }
0x18: {  	s0 =	sld [smem:$0x3F98];
	_ =	swait.ge [sflag:s4], $0x0  }
0x19: {  	s7 =	sld [smem:$0x3F99]  }
0x1a: {  	s8 =	sadd.s32 $0xFFFFE003, lr  }
0x1b: {  	s9 =	sadd.s32 $0xFFFFFEF7, lr;
	s5 =	simm.s32 $0xFFFFFFFF;
	p2 =	slt.u32 s8, $0xFFFFF086  }
0x1c: {  	p1 =	slt.u32 s9, $0xF7A;
	s5 =	simm.s32 @!p2 $0x0  }
0x1d: {  	s5 =	simm.s32 @p1 $0x1;
	p0 =	seq.s32 s7, s2  }
0x1e: {  	s7 =	smul.u32 @!p0 $0xF7A, s2;
	p2 =	seq.s32 @!p0 s5, $0x0  }
0x1f: {  	s9 =	smul.u32 $0xF7A, s1;
	s8 =	simm.s32 @!p0 $0x1BF5;
	p2 =	por !p2, p0  }
0x20: {  	[sflag:s8] =	ssyncset.s32 @!p0 $0xFFFFF086;
	s6 =	sadd.s32 @!p0 s3, s7;
	s7 =	simm.s32 @!p0 $0x108  }
0x21: {  	s3 =	sadd.s32 s3, s9;
	s6 =	sadd.s32 @!p0 $0x88, s6;
	s7 =	simm.s32 @p2 $0x1082  }
0x22: {  	[simem:s7], [sflag:s8] =	dma.local @!p0 [hbm:s6], $0xF7A  }
0x23: {  	s9 =	sor.u32 $0xD0000000, s2;
	s6 =	simm.s32 $0x108;
	_ =	swait.ge @!p0 [sflag:s8], $0x0  }
0x24: {  	s3 =	sadd.s32 $0x88, s3;
	s6 =	simm.s32 @!p1 $0x1082;
	[sflag:s4] =	ssyncset.s32 $0xFFFFF086  }
0x25: {  	[simem:s6], [sflag:s4] =	dma.local [hbm:s3], $0xF7A  }
0x26: {  	[smem:$0x3F99] =	sst s1;
	(tag) =	ssettag s2;
	_ =	strace s9  }
0x27: {  	s1 =	sld [smem:$0x3FA9]  }
0x28: {  	s2 =	sld [smem:$0x3FAA]  }
0x29: {  	s4 =	sld [smem:$0x3FAC]  }
0x2a: {  	p0 =	seq.s32 s5, $0x0;
	s5 =	sld [smem:$0x3FAD]  }
0x2b: {  	s6 =	sld [smem:$0x3FAE]  }
0x2c: {  	s7 =	sld [smem:$0x3FAF]  }
0x2d: {  	s3 =	simm.s32 $0x108;
	s8 =	sld [smem:$0x3FB0]  }
0x2e: {  	s3 =	simm.s32 @!p0 $0x1082;
	s9 =	sld [smem:$0x3FB1]  }
0x2f: {  	lr =	sadd.s32 s0, s3;
	s0 =	sld [smem:$0x3FA8]  }
0x30: {  	s3 =	sld [smem:$0x3FAB]  }
0x31: {  	[smem:$0x3FB4] =	sst s10  }
0x32: {  	s10 =	sld [smem:$0x3FB2];
	_ =	sdelay $0x3  }
0x33: {  	p0 =	seq.s32 s10, $0x1;
	s10 =	sld [smem:$0x3FB4];
	_ =	sdelay $0x3  }
0x34: {  	[smem:$0x3FB4] =	sst s10  }
0x35: {  	s10 =	sld [smem:$0x3FB3];
	_ =	sdelay $0x3  }
0x36: {  	p1 =	seq.s32 s10, $0x1;
	s10 =	sld [smem:$0x3FB4];
	_ =	sdelay $0x3  }
0x37: {  	[smem:$0x3FB4] =	sst s10  }
0x38: {  	s10 =	sld [smem:$0x3FB5]  }
0x39: {  	_ = 	snop;
	(pc) =	sbr.ind lr, $3  }
0x3a: {  	_ = 	snop  }
0x3b: {  	_ = 	snop  }
0x3c: {  	p2 =	seq.s32 s10, $0x1;
	s10 =	sld [smem:$0x3FB4]  }
0x3d: {  	_ =	shalt  }
0x3e: {  	_ =	shalt  }
0x3f: {  	_ =	shalt  }
0x40: {  	_ =	shalt  }
0x41: {  	_ =	shalt  }
0x42: {  	_ =	shalt  }
0x43: {  	_ =	shalt  }
0x44: {  	_ =	shalt  }
0x45: {  	_ =	shalt  }
0x46: {  	_ =	shalt  }
0x47: {  	_ =	shalt  }
0x48: {  	_ =	shalt  }
0x49: {  	_ =	shalt  }
0x4a: {  	_ =	shalt  }
0x4b: {  	_ =	shalt  }
0x4c: {  	_ =	shalt  }
0x4d: {  	_ =	shalt  }
0x4e: {  	_ =	shalt  }
0x4f: {  	_ =	shalt  }
0x50: {  	_ =	shalt  }
0x51: {  	_ =	shalt  }
0x52: {  	_ =	shalt  }
0x53: {  	_ =	shalt  }
0x54: {  	_ =	shalt  }
0x55: {  	_ =	shalt  }
0x56: {  	_ =	shalt  }
0x57: {  	_ =	shalt  }
0x58: {  	_ =	shalt  }
0x59: {  	_ =	shalt  }
0x5a: {  	_ =	shalt  }
0x5b: {  	_ =	shalt  }
0x5c: {  	_ =	shalt  }
0x5d: {  	_ =	shalt  }
0x5e: {  	_ =	shalt  }
0x5f: {  	_ =	shalt  }
0x60: {  	_ =	shalt  }
0x61: {  	_ =	shalt  }
0x62: {  	_ =	shalt  }
0x63: {  	_ =	shalt  }
0x64: {  	_ =	shalt  }
0x65: {  	_ =	shalt  }
0x66: {  	_ =	shalt  }
0x67: {  	_ =	shalt  }
0x68: {  	_ =	shalt  }
0x69: {  	_ =	shalt  }
0x6a: {  	_ =	shalt  }
0x6b: {  	_ =	shalt  }
0x6c: {  	_ =	shalt  }
0x6d: {  	_ =	shalt  }
0x6e: {  	_ =	shalt  }
0x6f: {  	_ =	shalt  }
0x70: {  	_ =	shalt  }
0x71: {  	_ =	shalt  }
0x72: {  	_ =	shalt  }
0x73: {  	_ =	shalt  }
0x74: {  	_ =	shalt  }
0x75: {  	_ =	shalt  }
0x76: {  	_ =	shalt  }
0x77: {  	_ =	shalt  }
0x78: {  	_ =	shalt  }
0x79: {  	_ =	shalt  }
0x7a: {  	_ =	shalt  }
0x7b: {  	_ =	shalt  }
0x7c: {  	_ =	shalt  }
0x7d: {  	_ =	shalt  }
0x7e: {  	_ =	shalt  }
0x7f: {  	_ =	shalt  }
0x80: {  	_ =	shalt  }
0x81: {  	_ =	shalt  }
0x82: {  	_ =	shalt  }
0x83: {  	_ =	shalt  }
0x84: {  	_ =	shalt  }
0x85: {  	_ =	shalt  }
0x86: {  	_ =	shalt  }
0x87: {  	_ =	shalt  }
.Lfunc_end0:
.L_simem_size_0:
called_computation.1_lowered:
.L_overlay_start_0:
0x88: {  	s2 =	sld [smem:$0x3FD9]  }
0x89: {  	s3 =	sld [smem:$0x3FFE];
	_ =	sdelay $0x1  }
0x8a: {  	s1 =	srdreg.scid  }
0x8b: {  	s0 =	sand.u32 $0x1, s1  }
0x8c: {  	s16 =	sshll.u32 s0, $0xA;
	s2 =	sadd.s32 s3, s2  }
0x8d: {  	s2 =	sadd.s32 s2, s16  }
0x8e: {  	[smem:$0x3FC0] =	sst s2  }
0x8f: {  	_ = 	snop  }
0x90: {  	(tm) =	ssettm $0x1  }
0x91: {  	s17 =	sld [smem:$0x3FFB];
	_ =	sdelay $0x3  }
0x92: {  	_ =	strace s17  }
0x93: {  	s2 =	sld [smem:$0x3FFC];
	_ =	sdelay $0x3  }
0x94: {  	_ =	strace s2  }
0x95: {  	s2 =	sld [smem:$0x3FFD];
	_ =	sdelay $0x3  }
0x96: {  	_ =	strace s2  }
0x97: {  	_ =	strace $0x8FFFFFFF  }
0x98: {  	s18 =	sld [smem:$0x3FDB];
	_ =	sdelay $0x1  }
0x99: {  	s19 =	simm.s32 $_scs_section_size  }
0x9a: {  	s4 =	simm.s32 $_size__tile_overlayer_lowered;
	s5 =	simm.s32 $_tile_overlayer_lowered  }
0x9b: {  	s22 =	simm.s32 $0x1BFF;
	s21 =	sshll.u32 s5, $0x1;
	s2 =	sadd.s32 s19, s18  }
0x9c: {  	s6 =	simm.s32 $0x0;
	s20 =	sshll.u32 s4, $0x1;
	s4 =	sadd.s32 s21, s2  }
0x9d: {  	[timem:s6], [sflag:s22] =	dma.local [hbm:s4], s20  }
0x9e: {  	_ =	swait.ge [sflag:s22], s20  }
0x9f: {  	s3 =	ssub.s32 $0x0, s20;
	[sflag:s22] =	ssyncset.done $0x0  }
0xa0: {  	[sflag:s22] =	ssyncadd.s32 s3;
	_ =	sdelay $0x1  }
0xa1: {  	s23 =	simm.s32 $0x1B8B  }
0xa2: {  	_ =	swait.ge [sflag:s23], $0x1  }
0xa3: {  	[sflag:s23] =	ssyncset.done $0x0  }
0xa4: {  	s25 =	simm.s32 $0x1B8E;
	s24 =	sld [smem:$0x3FFE];
	[sflag:s23] =	ssyncadd.s32 $0xFFFFFFFF  }
0xa5: {  	s26 =	simm.s32 $execute0_lowered;
	[smem:$0x3FD2] =	sst s25  }
0xa6: {  	s4 =	sshll.u32 s26, $0x1;
	_ =	strace $0x80000049;
	[dreg:$0x1] =	wrdreg $0xFFFFFFFF  }
0xa7: {  	s28 =	simm.s32 $_size_execute0_lowered;
	s2 =	sadd.s32 s2, s4;
	[dreg:$0x0] =	wrdreg $0x0  }
0xa8: {  	s4 =	sshll.u32 s28, $0x1;
	[dreg:$0x2] =	wrdreg s2  }
0xa9: {  	[dreg:$0x3] =	wrdreg s4  }
0xaa: {  	[dreg:$0x4] =	wrdreg $0xC0  }
0xab: {  	_ =	task [dreg:s6], $0x5FFFF  }
0xac: {  	[dreg:$0x1] =	wrdreg $0xFFFFFFFF  }
0xad: {  	[dreg:$0x0] =	wrdreg $0x60  }
0xae: {  	[dreg:$0x2] =	wrdreg s24  }
0xaf: {  	[dreg:$0x3] =	wrdreg $0x9  }
0xb0: {  	_ =	task.clear_ibuf [dreg:s6], $0x4FFFF;
	_ =	strace $0x90000049  }
0xb1: {  	s29 =	simm.s32 $0x9;
	_ =	strace $0x8000004B  }
0xb2: {  	_ =	swait.ge [sflag:s29], $0x1  }
0xb3: {  	[sflag:s29] =	ssyncadd.s32 $0xFFFFFFFF  }
0xb4: {  	_ =	strace $0x9000004B  }
0xb5: {  	_ =	sfence  }
0xb6: {  	s30 =	sld [smem:$0x0];
	_ =	sdelay $0x2  }
0xb7: {  	s31 =	sshll.u32 s1, $0xD;
	s1 =	sshrl.u32 s1, $0x2  }
0xb8: {  	s3 =	sand.u32 $0x4000, s31;
	s1 =	sadd.s32 s1, s30  }
0xb9: {  	s0 =	sor.u32 s3, s0;
	s1 =	sshll.u32 s1, $0x11  }
0xba: {  	s0 =	sor.u32 s1, s0  }
0xbb: {  	s0 =	sadd.s32 $0x8F2B, s0  }
0xbc: {  	[sflag:s0] =	ssyncadd.remote.s32 $0x1  }
0xbd: {  	_ =	sfence.sel $0xFFFF  }
0xbe: {  	[dreg:$0x0] =	wrdreg $0xFFFFFFFF;
	(pc) =	sbr.abs _section_cstart, $3  }
0xbf: {  	[dreg:$0x1] =	wrdreg $0xFFFFFFFF  }
0xc0: {  	_ =	task.clear_ibuf [dreg:s6], $0x2FFFF;
	_ =	strace $0x9FFFFFFF  }
0xc1: {  	(tm) =	ssettm $0x7FFFFFFF  }
tec
execute0_lowered:
.L_overlay_start_1:
0x0: {  	(tag) =	ssettag $0x1  }
0x1: {  	s0 =	srdreg.scid  }
0x2: {  	s1 =	stileid.u32;
	s4 =	rddreg [dreg:$0x0]  }
0x3: {  	s2 =	simm.s32 $0x0;
	s23 =	simm.s32 $0x1;
	s15 =	simm.s32 $0x2  }
0x4: {  	s17 =	simm.s32 $0xA00;
	s18 =	simm.s32 $0x1200;
	s19 =	simm.s32 $0x1A00  }
0x5: {  	s20 =	simm.s32 $0x2200;
	s21 =	simm.s32 $0x2A00;
	s22 =	simm.s32 $0x3200  }
0x6: {  	s28 =	simm.s32 $0x4A00;
	s29 =	simm.s32 $0x5200;
	s30 =	simm.s32 $0x5A00  }
0x7: {  	s31 =	simm.s32 $0x6200;
	s7 =	simm.s32 $0x6A00;
	s8 =	simm.s32 $0x7A00  }
0x8: {  	s9 =	simm.s32 $0x8A00;
	s10 =	simm.s32 $0x9200;
	s11 =	simm.s32 $0x9A00  }
0x9: {  	s12 =	simm.s32 $0xA200;
	s0 =	sand.u32 $0x1, s0;
	s1 =	sshll.u32 s1, $0x1  }
0xa: {  	s13 =	simm.s32 $0xAA00;
	s14 =	simm.s32 $0xB200;
	s1 =	sor.u32 s0, s1  }
0xb: {  	s24 =	simm.s32 $0xBA00;
	[smem:$0x7FF] =	sst s2;
	s3 =	sshll.u32 s1, $0x6  }
0xc: {  	_ =	strace $0x8000004A;
	s1 =	sshll.u32 s1, $0xE;
	s3 =	sadd.s32 s3, s4  }
0xd: {  	s0 =	ssub.s32 $0x2, s0;
	s1 =	sadd.s32 s1, s4;
	s3 =	sadd.s32 $0x2600, s3  }
0xe: {  	s6 =	sshrl.u32 s0, $0x1;
	s5 =	sadd.s32 $0x2E00, s1;
	[dreg:$0x2] =	wrdreg s3  }
0xf: {  	s0 =	ssub.s32 s0, s6;
	s25 =	sadd.s32 $0x3E00, s1;
	[dreg:$0x3] =	wrdreg s5  }
0x10: {  	s6 =	simm.s32 $0x7200;
	s26 =	sadd.s32 $0x4E00, s1;
	[dreg:$0x4] =	wrdreg s25  }
0x11: {  	v2 =	vlaneseq.u32;
	s1 =	sadd.s32 $0x5E00, s1;
	s3 =	sadd.s32 $0xBAE00, s4;
	[dreg:$0x5] =	wrdreg s26  }
0x12: {  	vm0 =	vmmov $0xffff;
	v1 =	vshrl.u32 v2, $0x3;
	s4 =	sadd.s32 $0xBAF00, s4;
	[dreg:$0x6] =	wrdreg s1;
	s5 =	smax.u32 s0, $0x1  }
0x13: {  	v0 =	vand.u32 $0x7, v2;
	v2 =	vor.u32 $0x8, v2;
	v1 =	vmul.u32 $0x8, v1;
	s25 =	simm.s32 $0x3A00;
	s26 =	simm.s32 $0x4200;
	s1 =	simm.s32 $0x8200  }
.LBB2_1:
0x14: {  	s16 =	rddreg [dreg:$0x2];
	s0 =	simm.s32 $0x3  }
0x15: {  	[tilespmem:s2], [sflag:$0x3] =	stream.linear.gather [hbm4b:s16+s2], $0x200, $0x38;
	[tilespmem:$0x10200] =	vst v63  }
0x16: {  	_ =	swait.ge [sflag:s0], $0x200  }
0x17: {  	[sflag:s0] =	ssyncset.done $0x0  }
0x18: {  	[sflag:s0] =	ssyncadd.s32 $0xFFFFFE00  }
0x19: {  	v3 =	vld [tilespmem:$0x0];
	_ =	sdelay $0x4  }
0x1a: {  	v4 =	vshll.u32 v3, $0x2  }
0x1b: {  	v3 =	vand.u32 $0x7, v3;
	v4 =	vand.u32 $0xFFFFFFE0, v4  }
0x1c: {  	v3 =	vor.u32 v3, v4  }
0x1d: {  	v4 =	vperm.xlane v3, v0;
	_ =	sdelay $0x1  }
0x1e: {  	v4 =	vadd.s32 v1, v4;
	_ =	sdelay $0x1  }
0x1f: {  	v3 =	vperm.xlane v3, v2;
	_ =	sdelay $0x1  }
0x20: {  	s16 =	simm.s32 $0x200;
	v3 =	vadd.s32 v1, v3  }
0x21: {  	[tilespmem:s16], [sflag:$0x1] =	stream.indirect_vreg.gather [hbm4b:s3+s2], $0x80, v4, vm0, $0xb8;
	[tilespmem:$0x10200] =	vst v63  }
0x22: {  	_ = 	snop  }
0x23: {  	[tilespmem:s17], [sflag:$0x1] =	stream.indirect_vreg.gather [hbm4b:s4+s2], $0x80, v4, vm0, $0xb8;
	[tilespmem:$0x10200] =	vst v63  }
0x24: {  	_ = 	snop  }
0x25: {  	[tilespmem:s18], [sflag:$0x1] =	stream.indirect_vreg.gather [hbm4b:s3+s2], $0x80, v3, vm0, $0xb8;
	[tilespmem:$0x10200] =	vst v63  }
0x26: {  	_ = 	snop  }
0x27: {  	[tilespmem:s19], [sflag:$0x1] =	stream.indirect_vreg.gather [hbm4b:s4+s2], $0x80, v3, vm0, $0xb8;
	[tilespmem:$0x10200] =	vst v63  }
0x28: {  	v3 =	vld [tilespmem:$0x10];
	_ =	sdelay $0x4  }
0x29: {  	v49 =	vshll.u32 v3, $0x2  }
0x2a: {  	v3 =	vand.u32 $0x7, v3;
	v4 =	vand.u32 $0xFFFFFFE0, v49  }
0x2b: {  	v3 =	vor.u32 v3, v4  }
0x2c: {  	v4 =	vperm.xlane v3, v0;
	_ =	sdelay $0x1  }
0x2d: {  	v4 =	vadd.s32 v1, v4;
	_ =	sdelay $0x1  }
0x2e: {  	v3 =	vperm.xlane v3, v2;
	_ =	sdelay $0x1  }
0x2f: {  	v3 =	vadd.s32 v1, v3  }
0x30: {  	[tilespmem:s20], [sflag:$0x1] =	stream.indirect_vreg.gather [hbm4b:s3+s2], $0x80, v4, vm0, $0xb8;
	[tilespmem:$0x10200] =	vst v63  }
0x31: {  	_ = 	snop  }
0x32: {  	[tilespmem:s21], [sflag:$0x1] =	stream.indirect_vreg.gather [hbm4b:s4+s2], $0x80, v4, vm0, $0xb8;
	[tilespmem:$0x10200] =	vst v63  }
0x33: {  	_ = 	snop  }
0x34: {  	[tilespmem:s22], [sflag:$0x1] =	stream.indirect_vreg.gather [hbm4b:s3+s2], $0x80, v3, vm0, $0xb8;
	[tilespmem:$0x10200] =	vst v63  }
0x35: {  	_ = 	snop  }
0x36: {  	[tilespmem:s25], [sflag:$0x1] =	stream.indirect_vreg.gather [hbm4b:s4+s2], $0x80, v3, vm0, $0xb8;
	[tilespmem:$0x10200] =	vst v63  }
0x37: {  	v3 =	vld [tilespmem:$0x20];
	_ =	sdelay $0x4  }
0x38: {  	v50 =	vshll.u32 v3, $0x2  }
0x39: {  	v3 =	vand.u32 $0x7, v3;
	v4 =	vand.u32 $0xFFFFFFE0, v50  }
0x3a: {  	v3 =	vor.u32 v3, v4  }
0x3b: {  	v4 =	vperm.xlane v3, v0;
	_ =	sdelay $0x1  }
0x3c: {  	v4 =	vadd.s32 v1, v4;
	_ =	sdelay $0x1  }
0x3d: {  	v3 =	vperm.xlane v3, v2;
	_ =	sdelay $0x1  }
0x3e: {  	v3 =	vadd.s32 v1, v3  }
0x3f: {  	[tilespmem:s26], [sflag:$0x1] =	stream.indirect_vreg.gather [hbm4b:s3+s2], $0x80, v4, vm0, $0xb8;
	[tilespmem:$0x10200] =	vst v63  }
0x40: {  	_ = 	snop  }
0x41: {  	[tilespmem:s28], [sflag:$0x1] =	stream.indirect_vreg.gather [hbm4b:s4+s2], $0x80, v4, vm0, $0xb8;
	[tilespmem:$0x10200] =	vst v63  }
0x42: {  	_ = 	snop  }
0x43: {  	[tilespmem:s29], [sflag:$0x1] =	stream.indirect_vreg.gather [hbm4b:s3+s2], $0x80, v3, vm0, $0xb8;
	[tilespmem:$0x10200] =	vst v63  }
0x44: {  	_ = 	snop  }
0x45: {  	[tilespmem:s30], [sflag:$0x1] =	stream.indirect_vreg.gather [hbm4b:s4+s2], $0x80, v3, vm0, $0xb8;
	[tilespmem:$0x10200] =	vst v63  }
0x46: {  	v3 =	vld [tilespmem:$0x30];
	_ =	sdelay $0x4  }
0x47: {  	v51 =	vshll.u32 v3, $0x2  }
0x48: {  	v3 =	vand.u32 $0x7, v3;
	v4 =	vand.u32 $0xFFFFFFE0, v51  }
0x49: {  	v3 =	vor.u32 v3, v4  }
0x4a: {  	v4 =	vperm.xlane v3, v0;
	_ =	sdelay $0x1  }
0x4b: {  	v4 =	vadd.s32 v1, v4;
	_ =	sdelay $0x1  }
0x4c: {  	v3 =	vperm.xlane v3, v2;
	_ =	sdelay $0x1  }
0x4d: {  	v3 =	vadd.s32 v1, v3  }
0x4e: {  	[tilespmem:s31], [sflag:$0x1] =	stream.indirect_vreg.gather [hbm4b:s3+s2], $0x80, v4, vm0, $0xb8;
	[tilespmem:$0x10200] =	vst v63  }
0x4f: {  	_ = 	snop  }
0x50: {  	[tilespmem:s7], [sflag:$0x1] =	stream.indirect_vreg.gather [hbm4b:s4+s2], $0x80, v4, vm0, $0xb8;
	[tilespmem:$0x10200] =	vst v63  }
0x51: {  	_ = 	snop  }
0x52: {  	[tilespmem:s6], [sflag:$0x1] =	stream.indirect_vreg.gather [hbm4b:s3+s2], $0x80, v3, vm0, $0xb8;
	[tilespmem:$0x10200] =	vst v63  }
0x53: {  	_ = 	snop  }
0x54: {  	[tilespmem:s8], [sflag:$0x1] =	stream.indirect_vreg.gather [hbm4b:s4+s2], $0x80, v3, vm0, $0xb8;
	[tilespmem:$0x10200] =	vst v63  }
0x55: {  	_ =	swait.ge [sflag:s23], $0x8000  }
0x56: {  	[sflag:s23] =	ssyncset.done $0x0  }
0x57: {  	[sflag:s23] =	ssyncadd.s32 $0xFFFF8000  }
0x58: {  	v3 =	vld [tilespmem:$0x80];
	_ =	sdelay $0x4  }
0x59: {  	v52 =	vshll.u32 v3, $0x2  }
0x5a: {  	v3 =	vand.u32 $0x7, v3;
	v4 =	vand.u32 $0xFFFFFFE0, v52  }
0x5b: {  	v3 =	vor.u32 v3, v4  }
0x5c: {  	v4 =	vperm.xlane v3, v0;
	_ =	sdelay $0x1  }
0x5d: {  	v4 =	vadd.s32 v1, v4;
	_ =	sdelay $0x1  }
0x5e: {  	v3 =	vperm.xlane v3, v2;
	_ =	sdelay $0x1  }
0x5f: {  	v3 =	vadd.s32 v1, v3  }
0x60: {  	[tilespmem:s1], [sflag:$0x1] =	stream.indirect_vreg.gather [hbm4b:s3+s2], $0x80, v4, vm0, $0xb8;
	[tilespmem:$0x10200] =	vst v63  }
0x61: {  	_ = 	snop  }
0x62: {  	[tilespmem:s9], [sflag:$0x1] =	stream.indirect_vreg.gather [hbm4b:s4+s2], $0x80, v4, vm0, $0xb8;
	[tilespmem:$0x10200] =	vst v63  }
0x63: {  	_ = 	snop  }
0x64: {  	[tilespmem:s10], [sflag:$0x1] =	stream.indirect_vreg.gather [hbm4b:s3+s2], $0x80, v3, vm0, $0xb8;
	[tilespmem:$0x10200] =	vst v63  }
0x65: {  	_ = 	snop  }
0x66: {  	[tilespmem:s11], [sflag:$0x1] =	stream.indirect_vreg.gather [hbm4b:s4+s2], $0x80, v3, vm0, $0xb8;
	[tilespmem:$0x10200] =	vst v63  }
0x67: {  	v3 =	vld [tilespmem:$0x90];
	_ =	sdelay $0x4  }
0x68: {  	v53 =	vshll.u32 v3, $0x2  }
0x69: {  	v3 =	vand.u32 $0x7, v3;
	v4 =	vand.u32 $0xFFFFFFE0, v53  }
0x6a: {  	v3 =	vor.u32 v3, v4  }
0x6b: {  	v4 =	vperm.xlane v3, v0;
	_ =	sdelay $0x1  }
0x6c: {  	v4 =	vadd.s32 v1, v4;
	_ =	sdelay $0x1  }
0x6d: {  	v3 =	vperm.xlane v3, v2;
	_ =	sdelay $0x1  }
0x6e: {  	v3 =	vadd.s32 v1, v3  }
0x6f: {  	[tilespmem:s12], [sflag:$0x1] =	stream.indirect_vreg.gather [hbm4b:s3+s2], $0x80, v4, vm0, $0xb8;
	[tilespmem:$0x10200] =	vst v63  }
0x70: {  	_ = 	snop  }
0x71: {  	[tilespmem:s13], [sflag:$0x1] =	stream.indirect_vreg.gather [hbm4b:s4+s2], $0x80, v4, vm0, $0xb8;
	[tilespmem:$0x10200] =	vst v63  }
0x72: {  	_ = 	snop  }
0x73: {  	[tilespmem:s14], [sflag:$0x1] =	stream.indirect_vreg.gather [hbm4b:s3+s2], $0x80, v3, vm0, $0xb8;
	[tilespmem:$0x10200] =	vst v63  }
0x74: {  	_ = 	snop  }
0x75: {  	[tilespmem:s24], [sflag:$0x1] =	stream.indirect_vreg.gather [hbm4b:s4+s2], $0x80, v3, vm0, $0xb8;
	[tilespmem:$0x10200] =	vst v63  }
0x76: {  	v3 =	vld [tilespmem:$0xA0];
	_ =	sdelay $0x4  }
0x77: {  	v54 =	vshll.u32 v3, $0x2  }
0x78: {  	v3 =	vand.u32 $0x7, v3;
	v4 =	vand.u32 $0xFFFFFFE0, v54  }
0x79: {  	v3 =	vor.u32 v3, v4  }
0x7a: {  	v4 =	vperm.xlane v3, v0;
	_ =	sdelay $0x1  }
0x7b: {  	v4 =	vadd.s32 v1, v4;
	_ =	sdelay $0x1  }
0x7c: {  	v3 =	vperm.xlane v3, v2;
	_ =	sdelay $0x1  }
0x7d: {  	s16 =	simm.s32 $0xC200;
	v3 =	vadd.s32 v1, v3  }
0x7e: {  	[tilespmem:s16], [sflag:$0x1] =	stream.indirect_vreg.gather [hbm4b:s3+s2], $0x80, v4, vm0, $0xb8;
	[tilespmem:$0x10200] =	vst v63  }
0x7f: {  	s16 =	simm.s32 $0xCA00  }
0x80: {  	[tilespmem:s16], [sflag:$0x1] =	stream.indirect_vreg.gather [hbm4b:s4+s2], $0x80, v4, vm0, $0xb8;
	[tilespmem:$0x10200] =	vst v63  }
0x81: {  	s16 =	simm.s32 $0xD200  }
0x82: {  	[tilespmem:s16], [sflag:$0x1] =	stream.indirect_vreg.gather [hbm4b:s3+s2], $0x80, v3, vm0, $0xb8;
	[tilespmem:$0x10200] =	vst v63  }
0x83: {  	s16 =	simm.s32 $0xDA00  }
0x84: {  	[tilespmem:s16], [sflag:$0x1] =	stream.indirect_vreg.gather [hbm4b:s4+s2], $0x80, v3, vm0, $0xb8;
	[tilespmem:$0x10200] =	vst v63  }
0x85: {  	v3 =	vld [tilespmem:$0xB0];
	_ =	sdelay $0x4  }
0x86: {  	v55 =	vshll.u32 v3, $0x2  }
0x87: {  	v3 =	vand.u32 $0x7, v3;
	v4 =	vand.u32 $0xFFFFFFE0, v55  }
0x88: {  	v3 =	vor.u32 v3, v4  }
0x89: {  	v4 =	vperm.xlane v3, v0;
	_ =	sdelay $0x1  }
0x8a: {  	v4 =	vadd.s32 v1, v4;
	_ =	sdelay $0x1  }
0x8b: {  	v3 =	vperm.xlane v3, v2;
	_ =	sdelay $0x1  }
0x8c: {  	s16 =	simm.s32 $0xE200;
	v3 =	vadd.s32 v1, v3  }
0x8d: {  	[tilespmem:s16], [sflag:$0x1] =	stream.indirect_vreg.gather [hbm4b:s3+s2], $0x80, v4, vm0, $0xb8;
	[tilespmem:$0x10200] =	vst v63  }
0x8e: {  	s16 =	simm.s32 $0xEA00  }
0x8f: {  	[tilespmem:s16], [sflag:$0x1] =	stream.indirect_vreg.gather [hbm4b:s4+s2], $0x80, v4, vm0, $0xb8;
	[tilespmem:$0x10200] =	vst v63  }
0x90: {  	s16 =	simm.s32 $0xF200  }
0x91: {  	[tilespmem:s16], [sflag:$0x1] =	stream.indirect_vreg.gather [hbm4b:s3+s2], $0x80, v3, vm0, $0xb8;
	[tilespmem:$0x10200] =	vst v63  }
0x92: {  	s0 =	simm.s32 $0xFA00  }
0x93: {  	[tilespmem:s0], [sflag:$0x1] =	stream.indirect_vreg.gather [hbm4b:s4+s2], $0x80, v3, vm0, $0xb8;
	[tilespmem:$0x10200] =	vst v63  }
0x94: {  	s16 =	rddreg [dreg:$0x3];
	s0 =	simm.s32 $0x200  }
0x95: {  	[hbm4b:s16+s2] =	stream.linear.scatter [tilespmem:s0], [sflag:$0x2], $0x8000, $0x38;
	[tilespmem:$0x10200] =	vst v63  }
0x96: {  	_ =	swait.ge [sflag:s23], $0x8000  }
0x97: {  	[sflag:s23] =	ssyncset.done $0x0  }
0x98: {  	[sflag:s23] =	ssyncadd.s32 $0xFFFF8000  }
0x99: {  	_ =	swait.ge [sflag:s15], $0x8000  }
0x9a: {  	[sflag:s15] =	ssyncset.done $0x0  }
0x9b: {  	[sflag:s15] =	ssyncadd.s32 $0xFFFF8000  }
0x9c: {  	v3 =	vld [tilespmem:$0x100];
	_ =	sdelay $0x4  }
0x9d: {  	v56 =	vshll.u32 v3, $0x2  }
0x9e: {  	v3 =	vand.u32 $0x7, v3;
	v4 =	vand.u32 $0xFFFFFFE0, v56  }
0x9f: {  	v3 =	vor.u32 v3, v4  }
0xa0: {  	v4 =	vperm.xlane v3, v0;
	_ =	sdelay $0x1  }
0xa1: {  	v4 =	vadd.s32 v1, v4;
	_ =	sdelay $0x1  }
0xa2: {  	v3 =	vperm.xlane v3, v2;
	_ =	sdelay $0x1  }
0xa3: {  	v3 =	vadd.s32 v1, v3  }
0xa4: {  	[tilespmem:s0], [sflag:$0x1] =	stream.indirect_vreg.gather [hbm4b:s3+s2], $0x80, v4, vm0, $0xb8;
	[tilespmem:$0x10200] =	vst v63  }
0xa5: {  	_ = 	snop  }
0xa6: {  	[tilespmem:s17], [sflag:$0x1] =	stream.indirect_vreg.gather [hbm4b:s4+s2], $0x80, v4, vm0, $0xb8;
	[tilespmem:$0x10200] =	vst v63  }
0xa7: {  	_ = 	snop  }
0xa8: {  	[tilespmem:s18], [sflag:$0x1] =	stream.indirect_vreg.gather [hbm4b:s3+s2], $0x80, v3, vm0, $0xb8;
	[tilespmem:$0x10200] =	vst v63  }
0xa9: {  	_ = 	snop  }
0xaa: {  	[tilespmem:s19], [sflag:$0x1] =	stream.indirect_vreg.gather [hbm4b:s4+s2], $0x80, v3, vm0, $0xb8;
	[tilespmem:$0x10200] =	vst v63  }
0xab: {  	v3 =	vld [tilespmem:$0x110];
	_ =	sdelay $0x4  }
0xac: {  	v57 =	vshll.u32 v3, $0x2  }
0xad: {  	v3 =	vand.u32 $0x7, v3;
	v4 =	vand.u32 $0xFFFFFFE0, v57  }
0xae: {  	v3 =	vor.u32 v3, v4  }
0xaf: {  	v4 =	vperm.xlane v3, v0;
	_ =	sdelay $0x1  }
0xb0: {  	v4 =	vadd.s32 v1, v4;
	_ =	sdelay $0x1  }
0xb1: {  	v3 =	vperm.xlane v3, v2;
	_ =	sdelay $0x1  }
0xb2: {  	v3 =	vadd.s32 v1, v3  }
0xb3: {  	[tilespmem:s20], [sflag:$0x1] =	stream.indirect_vreg.gather [hbm4b:s3+s2], $0x80, v4, vm0, $0xb8;
	[tilespmem:$0x10200] =	vst v63  }
0xb4: {  	_ = 	snop  }
0xb5: {  	[tilespmem:s21], [sflag:$0x1] =	stream.indirect_vreg.gather [hbm4b:s4+s2], $0x80, v4, vm0, $0xb8;
	[tilespmem:$0x10200] =	vst v63  }
0xb6: {  	_ = 	snop  }
0xb7: {  	[tilespmem:s22], [sflag:$0x1] =	stream.indirect_vreg.gather [hbm4b:s3+s2], $0x80, v3, vm0, $0xb8;
	[tilespmem:$0x10200] =	vst v63  }
0xb8: {  	_ = 	snop  }
0xb9: {  	[tilespmem:s25], [sflag:$0x1] =	stream.indirect_vreg.gather [hbm4b:s4+s2], $0x80, v3, vm0, $0xb8;
	[tilespmem:$0x10200] =	vst v63  }
0xba: {  	v3 =	vld [tilespmem:$0x120];
	_ =	sdelay $0x4  }
0xbb: {  	v58 =	vshll.u32 v3, $0x2  }
0xbc: {  	v3 =	vand.u32 $0x7, v3;
	v4 =	vand.u32 $0xFFFFFFE0, v58  }
0xbd: {  	v3 =	vor.u32 v3, v4  }
0xbe: {  	v4 =	vperm.xlane v3, v0;
	_ =	sdelay $0x1  }
0xbf: {  	v4 =	vadd.s32 v1, v4;
	_ =	sdelay $0x1  }
0xc0: {  	v3 =	vperm.xlane v3, v2;
	_ =	sdelay $0x1  }
0xc1: {  	v3 =	vadd.s32 v1, v3  }
0xc2: {  	[tilespmem:s26], [sflag:$0x1] =	stream.indirect_vreg.gather [hbm4b:s3+s2], $0x80, v4, vm0, $0xb8;
	[tilespmem:$0x10200] =	vst v63  }
0xc3: {  	_ = 	snop  }
0xc4: {  	[tilespmem:s28], [sflag:$0x1] =	stream.indirect_vreg.gather [hbm4b:s4+s2], $0x80, v4, vm0, $0xb8;
	[tilespmem:$0x10200] =	vst v63  }
0xc5: {  	_ = 	snop  }
0xc6: {  	[tilespmem:s29], [sflag:$0x1] =	stream.indirect_vreg.gather [hbm4b:s3+s2], $0x80, v3, vm0, $0xb8;
	[tilespmem:$0x10200] =	vst v63  }
0xc7: {  	_ = 	snop  }
0xc8: {  	[tilespmem:s30], [sflag:$0x1] =	stream.indirect_vreg.gather [hbm4b:s4+s2], $0x80, v3, vm0, $0xb8;
	[tilespmem:$0x10200] =	vst v63  }
0xc9: {  	v3 =	vld [tilespmem:$0x130];
	_ =	sdelay $0x4  }
0xca: {  	v59 =	vshll.u32 v3, $0x2  }
0xcb: {  	v3 =	vand.u32 $0x7, v3;
	v4 =	vand.u32 $0xFFFFFFE0, v59  }
0xcc: {  	v3 =	vor.u32 v3, v4  }
0xcd: {  	v4 =	vperm.xlane v3, v0;
	_ =	sdelay $0x1  }
0xce: {  	v4 =	vadd.s32 v1, v4;
	_ =	sdelay $0x1  }
0xcf: {  	v3 =	vperm.xlane v3, v2;
	_ =	sdelay $0x1  }
0xd0: {  	v3 =	vadd.s32 v1, v3  }
0xd1: {  	[tilespmem:s31], [sflag:$0x1] =	stream.indirect_vreg.gather [hbm4b:s3+s2], $0x80, v4, vm0, $0xb8;
	[tilespmem:$0x10200] =	vst v63  }
0xd2: {  	_ = 	snop  }
0xd3: {  	[tilespmem:s7], [sflag:$0x1] =	stream.indirect_vreg.gather [hbm4b:s4+s2], $0x80, v4, vm0, $0xb8;
	[tilespmem:$0x10200] =	vst v63  }
0xd4: {  	_ = 	snop  }
0xd5: {  	[tilespmem:s6], [sflag:$0x1] =	stream.indirect_vreg.gather [hbm4b:s3+s2], $0x80, v3, vm0, $0xb8;
	[tilespmem:$0x10200] =	vst v63  }
0xd6: {  	_ = 	snop  }
0xd7: {  	[tilespmem:s8], [sflag:$0x1] =	stream.indirect_vreg.gather [hbm4b:s4+s2], $0x80, v3, vm0, $0xb8;
	[tilespmem:$0x10200] =	vst v63  }
0xd8: {  	s0 =	rddreg [dreg:$0x4]  }
0xd9: {  	[hbm4b:s0+s2] =	stream.linear.scatter [tilespmem:s1], [sflag:$0x2], $0x8000, $0x38;
	[tilespmem:$0x10200] =	vst v63  }
0xda: {  	_ =	swait.ge [sflag:s23], $0x8000  }
0xdb: {  	[sflag:s23] =	ssyncset.done $0x0  }
0xdc: {  	[sflag:s23] =	ssyncadd.s32 $0xFFFF8000  }
0xdd: {  	_ =	swait.ge [sflag:s15], $0x8000  }
0xde: {  	[sflag:s15] =	ssyncset.done $0x0  }
0xdf: {  	[sflag:s15] =	ssyncadd.s32 $0xFFFF8000  }
0xe0: {  	v3 =	vld [tilespmem:$0x180];
	_ =	sdelay $0x4  }
0xe1: {  	v60 =	vshll.u32 v3, $0x2  }
0xe2: {  	v3 =	vand.u32 $0x7, v3;
	v4 =	vand.u32 $0xFFFFFFE0, v60  }
0xe3: {  	v3 =	vor.u32 v3, v4  }
0xe4: {  	v4 =	vperm.xlane v3, v0;
	_ =	sdelay $0x1  }
0xe5: {  	v4 =	vadd.s32 v1, v4;
	_ =	sdelay $0x1  }
0xe6: {  	v3 =	vperm.xlane v3, v2;
	_ =	sdelay $0x1  }
0xe7: {  	v3 =	vadd.s32 v1, v3  }
0xe8: {  	[tilespmem:s1], [sflag:$0x1] =	stream.indirect_vreg.gather [hbm4b:s3+s2], $0x80, v4, vm0, $0xb8;
	[tilespmem:$0x10200] =	vst v63  }
0xe9: {  	_ = 	snop  }
0xea: {  	[tilespmem:s9], [sflag:$0x1] =	stream.indirect_vreg.gather [hbm4b:s4+s2], $0x80, v4, vm0, $0xb8;
	[tilespmem:$0x10200] =	vst v63  }
0xeb: {  	_ = 	snop  }
0xec: {  	[tilespmem:s10], [sflag:$0x1] =	stream.indirect_vreg.gather [hbm4b:s3+s2], $0x80, v3, vm0, $0xb8;
	[tilespmem:$0x10200] =	vst v63  }
0xed: {  	_ = 	snop  }
0xee: {  	[tilespmem:s11], [sflag:$0x1] =	stream.indirect_vreg.gather [hbm4b:s4+s2], $0x80, v3, vm0, $0xb8;
	[tilespmem:$0x10200] =	vst v63  }
0xef: {  	v3 =	vld [tilespmem:$0x190];
	_ =	sdelay $0x4  }
0xf0: {  	v61 =	vshll.u32 v3, $0x2  }
0xf1: {  	v3 =	vand.u32 $0x7, v3;
	v4 =	vand.u32 $0xFFFFFFE0, v61  }
0xf2: {  	v3 =	vor.u32 v3, v4  }
0xf3: {  	v4 =	vperm.xlane v3, v0;
	_ =	sdelay $0x1  }
0xf4: {  	v4 =	vadd.s32 v1, v4;
	_ =	sdelay $0x1  }
0xf5: {  	v3 =	vperm.xlane v3, v2;
	_ =	sdelay $0x1  }
0xf6: {  	v3 =	vadd.s32 v1, v3  }
0xf7: {  	[tilespmem:s12], [sflag:$0x1] =	stream.indirect_vreg.gather [hbm4b:s3+s2], $0x80, v4, vm0, $0xb8;
	[tilespmem:$0x10200] =	vst v63  }
0xf8: {  	_ = 	snop  }
0xf9: {  	[tilespmem:s13], [sflag:$0x1] =	stream.indirect_vreg.gather [hbm4b:s4+s2], $0x80, v4, vm0, $0xb8;
	[tilespmem:$0x10200] =	vst v63  }
0xfa: {  	_ = 	snop  }
0xfb: {  	[tilespmem:s14], [sflag:$0x1] =	stream.indirect_vreg.gather [hbm4b:s3+s2], $0x80, v3, vm0, $0xb8;
	[tilespmem:$0x10200] =	vst v63  }
0xfc: {  	_ = 	snop  }
0xfd: {  	[tilespmem:s24], [sflag:$0x1] =	stream.indirect_vreg.gather [hbm4b:s4+s2], $0x80, v3, vm0, $0xb8;
	[tilespmem:$0x10200] =	vst v63  }
0xfe: {  	v3 =	vld [tilespmem:$0x1A0];
	_ =	sdelay $0x4  }
0xff: {  	v62 =	vshll.u32 v3, $0x2  }
0x100: {  	v3 =	vand.u32 $0x7, v3;
	v4 =	vand.u32 $0xFFFFFFE0, v62  }
0x101: {  	v3 =	vor.u32 v3, v4  }
0x102: {  	v4 =	vperm.xlane v3, v0;
	_ =	sdelay $0x1  }
0x103: {  	v4 =	vadd.s32 v1, v4;
	_ =	sdelay $0x1  }
0x104: {  	v3 =	vperm.xlane v3, v2;
	_ =	sdelay $0x1  }
0x105: {  	s16 =	simm.s32 $0xC200;
	v3 =	vadd.s32 v1, v3  }
0x106: {  	[tilespmem:s16], [sflag:$0x1] =	stream.indirect_vreg.gather [hbm4b:s3+s2], $0x80, v4, vm0, $0xb8;
	[tilespmem:$0x10200] =	vst v63  }
0x107: {  	s16 =	simm.s32 $0xCA00  }
0x108: {  	[tilespmem:s16], [sflag:$0x1] =	stream.indirect_vreg.gather [hbm4b:s4+s2], $0x80, v4, vm0, $0xb8;
	[tilespmem:$0x10200] =	vst v63  }
0x109: {  	s16 =	simm.s32 $0xD200  }
0x10a: {  	[tilespmem:s16], [sflag:$0x1] =	stream.indirect_vreg.gather [hbm4b:s3+s2], $0x80, v3, vm0, $0xb8;
	[tilespmem:$0x10200] =	vst v63  }
0x10b: {  	s16 =	simm.s32 $0xDA00  }
0x10c: {  	[tilespmem:s16], [sflag:$0x1] =	stream.indirect_vreg.gather [hbm4b:s4+s2], $0x80, v3, vm0, $0xb8;
	[tilespmem:$0x10200] =	vst v63  }
0x10d: {  	v3 =	vld [tilespmem:$0x1B0];
	_ =	sdelay $0x4  }
0x10e: {  	v63 =	vshll.u32 v3, $0x2  }
0x10f: {  	v3 =	vand.u32 $0x7, v3;
	v4 =	vand.u32 $0xFFFFFFE0, v63  }
0x110: {  	v3 =	vor.u32 v3, v4  }
0x111: {  	v4 =	vperm.xlane v3, v0;
	_ =	sdelay $0x1  }
0x112: {  	v4 =	vadd.s32 v1, v4;
	_ =	sdelay $0x1  }
0x113: {  	v3 =	vperm.xlane v3, v2;
	_ =	sdelay $0x1  }
0x114: {  	s16 =	simm.s32 $0xE200;
	v3 =	vadd.s32 v1, v3  }
0x115: {  	[tilespmem:s16], [sflag:$0x1] =	stream.indirect_vreg.gather [hbm4b:s3+s2], $0x80, v4, vm0, $0xb8;
	[tilespmem:$0x10200] =	vst v63  }
0x116: {  	s16 =	simm.s32 $0xEA00  }
0x117: {  	[tilespmem:s16], [sflag:$0x1] =	stream.indirect_vreg.gather [hbm4b:s4+s2], $0x80, v4, vm0, $0xb8;
	[tilespmem:$0x10200] =	vst v63  }
0x118: {  	s16 =	simm.s32 $0xF200  }
0x119: {  	[tilespmem:s16], [sflag:$0x1] =	stream.indirect_vreg.gather [hbm4b:s3+s2], $0x80, v3, vm0, $0xb8;
	[tilespmem:$0x10200] =	vst v63  }
0x11a: {  	s0 =	simm.s32 $0xFA00  }
0x11b: {  	[tilespmem:s0], [sflag:$0x1] =	stream.indirect_vreg.gather [hbm4b:s4+s2], $0x80, v3, vm0, $0xb8;
	[tilespmem:$0x10200] =	vst v63  }
0x11c: {  	s16 =	rddreg [dreg:$0x5];
	s0 =	simm.s32 $0x200  }
0x11d: {  	[hbm4b:s16+s2] =	stream.linear.scatter [tilespmem:s0], [sflag:$0x2], $0x8000, $0x38;
	[tilespmem:$0x10200] =	vst v63  }
0x11e: {  	_ =	swait.ge [sflag:s23], $0x8000  }
0x11f: {  	[sflag:s23] =	ssyncset.done $0x0  }
0x120: {  	s0 =	rddreg [dreg:$0x6];
	[sflag:s23] =	ssyncadd.s32 $0xFFFF8000  }
0x121: {  	[hbm4b:s0+s2] =	stream.linear.scatter [tilespmem:s1], [sflag:$0x2], $0x8000, $0x38;
	[tilespmem:$0x10200] =	vst v63  }
0x122: {  	p0 =	sne.s32 s5, $0x1;
	_ =	swait.ge [sflag:s15], $0x8000  }
.Ltmp0:
0x123: {  	[sflag:s15] =	ssyncset.done $0x0;
	(pc) =	sbr.rel @p0 .LBB2_1-.Ltmp0, $4  }
0x124: {  	[sflag:s15] =	ssyncadd.s32 $0xFFFF8000  }
0x125: {  	_ =	swait.ge [sflag:s15], $0x8000  }
0x126: {  	[sflag:s15] =	ssyncset.done $0x0  }
0x127: {  	s5 =	sadd.s32 $0xFFFFFFFF, s5;
	[sflag:s15] =	ssyncadd.s32 $0xFFFF8000  }
0x128: {  	_ =	sfence.sel $0x180000  }
0x129: {  	[bflag:$0x0] =	sbarrier.arrive $0xFFFF  }
0x12a: {  	_ =	strace $0x9000004A  }
0x12b: {  	s0 =	stileid.u32;
	[bflag:$0x2] =	sbarrier.arrive $0xFFFF  }
0x12c: {  	p0 =	sne.s32 s0, $0x0;
	s0 =	rddreg [dreg:$0x1]  }
0x12d: {  	s0 =	sadd.s32 @!p0 $0x100000, s0  }
0x12e: {  	[sflag:s0] =	ssyncadd.tile.s32 @!p0 $0x1;
	_ =	shalt  }
.Lfunc_end2:
_tile_overlayer_lowered:
.L_overlay_start_2:
0x12f: {  	(tag) =	ssettag $0x2  }
0x130: {  	s0 =	rddreg [dreg:$0x0];
	s2 =	stileid.u32  }
0x131: {  	s1 =	rddreg [dreg:$0x1];
	p0 =	sne.s32 s2, $0x0  }
0x132: {  	s3 =	rddreg [dreg:$0x2];
	[bflag:$0x3] =	sbarrier.arrive $0xFFFF;
	s2 =	simm.s32 @!p0 $0x1C03  }
0x133: {  	[timem:s3], [sflag:s2] =	dma.local @!p0 [hbm:s0], s1  }
0x134: {  	s0 =	simm.s32 @!p0 $0x3  }
0x135: {  	_ =	swait.ge @!p0 [sflag:s0], s1  }
0x136: {  	s1 =	ssub.s32 @!p0 $0x0, s1;
	[sflag:s0] =	ssyncset.done @!p0 $0x0  }
0x137: {  	[sflag:s0] =	ssyncadd.s32 @!p0 s1  }
0x138: {  	[bflag:$0x3] =	sbarrier.arrive $0xFFFF  }
0x139: {  	_ =	shalt  }

// kernel: kernel.7.cloned.1.call-start
scs
__scs_entry_jumppad:
0x0: {  	(pc) =	sbr.rel $0x88, $3  }
0x1: {  	(tag) =	ssettag $0x0;
	lr =	simm.s32 $0x1  }
0x2: {  	[smem:$0x3F99] =	sst lr;
	_ =	strace $0xD0000000  }
0x3: {  	_ = 	snop  }
0x4: {  	_ = 	snop  }
0x5: {  	_ = 	snop  }
0x6: {  	_ = 	snop  }
0x7: {  	_ = 	snop  }
__scs_overlays_trampoline_lowered:
0x8: {  	[smem:$0x3FA8] =	sst s0  }
0x9: {  	[smem:$0x3FA9] =	sst s1  }
0xa: {  	[smem:$0x3FAA] =	sst s2  }
0xb: {  	[smem:$0x3FAB] =	sst s3  }
0xc: {  	[smem:$0x3FAC] =	sst s4  }
0xd: {  	[smem:$0x3FAD] =	sst s5  }
0xe: {  	[smem:$0x3FAE] =	sst s6  }
0xf: {  	[smem:$0x3FAF] =	sst s7  }
0x10: {  	[smem:$0x3FB0] =	sst s8  }
0x11: {  	[smem:$0x3FB1] =	sst s9;
	s0 =	simm.s32 @!p0 $0x0  }
0x12: {  	s1 =	sld [smem:$0x3F97];
	s0 =	simm.s32 @p0 $0x1  }
0x13: {  	[smem:$0x3FB2] =	sst s0;
	s0 =	simm.s32 @!p1 $0x0  }
0x14: {  	s2 =	sld [smem:$0x3F96];
	s0 =	simm.s32 @p1 $0x1  }
0x15: {  	[smem:$0x3FB3] =	sst s0;
	s0 =	simm.s32 @!p2 $0x0  }
0x16: {  	s3 =	sld [smem:$0x3FDB];
	s0 =	simm.s32 @p2 $0x1  }
0x17: {  	s4 =	simm.s32 $0x1BF5;
	[smem:$0x3FB5] =	sst s0  }
0x18: {  	s0 =	sld [smem:$0x3F98];
	_ =	swait.ge [sflag:s4], $0x0  }
0x19: {  	s7 =	sld [smem:$0x3F99]  }
0x1a: {  	s8 =	sadd.s32 $0xFFFFE003, lr  }
0x1b: {  	s9 =	sadd.s32 $0xFFFFFEF7, lr;
	s5 =	simm.s32 $0xFFFFFFFF;
	p2 =	slt.u32 s8, $0xFFFFF086  }
0x1c: {  	p1 =	slt.u32 s9, $0xF7A;
	s5 =	simm.s32 @!p2 $0x0  }
0x1d: {  	s5 =	simm.s32 @p1 $0x1;
	p0 =	seq.s32 s7, s2  }
0x1e: {  	s7 =	smul.u32 @!p0 $0xF7A, s2;
	p2 =	seq.s32 @!p0 s5, $0x0  }
0x1f: {  	s9 =	smul.u32 $0xF7A, s1;
	s8 =	simm.s32 @!p0 $0x1BF5;
	p2 =	por !p2, p0  }
0x20: {  	[sflag:s8] =	ssyncset.s32 @!p0 $0xFFFFF086;
	s6 =	sadd.s32 @!p0 s3, s7;
	s7 =	simm.s32 @!p0 $0x108  }
0x21: {  	s3 =	sadd.s32 s3, s9;
	s6 =	sadd.s32 @!p0 $0x88, s6;
	s7 =	simm.s32 @p2 $0x1082  }
0x22: {  	[simem:s7], [sflag:s8] =	dma.local @!p0 [hbm:s6], $0xF7A  }
0x23: {  	s9 =	sor.u32 $0xD0000000, s2;
	s6 =	simm.s32 $0x108;
	_ =	swait.ge @!p0 [sflag:s8], $0x0  }
0x24: {  	s3 =	sadd.s32 $0x88, s3;
	s6 =	simm.s32 @!p1 $0x1082;
	[sflag:s4] =	ssyncset.s32 $0xFFFFF086  }
0x25: {  	[simem:s6], [sflag:s4] =	dma.local [hbm:s3], $0xF7A  }
0x26: {  	[smem:$0x3F99] =	sst s1;
	(tag) =	ssettag s2;
	_ =	strace s9  }
0x27: {  	s1 =	sld [smem:$0x3FA9]  }
0x28: {  	s2 =	sld [smem:$0x3FAA]  }
0x29: {  	s4 =	sld [smem:$0x3FAC]  }
0x2a: {  	p0 =	seq.s32 s5, $0x0;
	s5 =	sld [smem:$0x3FAD]  }
0x2b: {  	s6 =	sld [smem:$0x3FAE]  }
0x2c: {  	s7 =	sld [smem:$0x3FAF]  }
0x2d: {  	s3 =	simm.s32 $0x108;
	s8 =	sld [smem:$0x3FB0]  }
0x2e: {  	s3 =	simm.s32 @!p0 $0x1082;
	s9 =	sld [smem:$0x3FB1]  }
0x2f: {  	lr =	sadd.s32 s0, s3;
	s0 =	sld [smem:$0x3FA8]  }
0x30: {  	s3 =	sld [smem:$0x3FAB]  }
0x31: {  	[smem:$0x3FB4] =	sst s10  }
0x32: {  	s10 =	sld [smem:$0x3FB2];
	_ =	sdelay $0x3  }
0x33: {  	p0 =	seq.s32 s10, $0x1;
	s10 =	sld [smem:$0x3FB4];
	_ =	sdelay $0x3  }
0x34: {  	[smem:$0x3FB4] =	sst s10  }
0x35: {  	s10 =	sld [smem:$0x3FB3];
	_ =	sdelay $0x3  }
0x36: {  	p1 =	seq.s32 s10, $0x1;
	s10 =	sld [smem:$0x3FB4];
	_ =	sdelay $0x3  }
0x37: {  	[smem:$0x3FB4] =	sst s10  }
0x38: {  	s10 =	sld [smem:$0x3FB5]  }
0x39: {  	_ = 	snop;
	(pc) =	sbr.ind lr, $3  }
0x3a: {  	_ = 	snop  }
0x3b: {  	_ = 	snop  }
0x3c: {  	p2 =	seq.s32 s10, $0x1;
	s10 =	sld [smem:$0x3FB4]  }
0x3d: {  	_ =	shalt  }
0x3e: {  	_ =	shalt  }
0x3f: {  	_ =	shalt  }
0x40: {  	_ =	shalt  }
0x41: {  	_ =	shalt  }
0x42: {  	_ =	shalt  }
0x43: {  	_ =	shalt  }
0x44: {  	_ =	shalt  }
0x45: {  	_ =	shalt  }
0x46: {  	_ =	shalt  }
0x47: {  	_ =	shalt  }
0x48: {  	_ =	shalt  }
0x49: {  	_ =	shalt  }
0x4a: {  	_ =	shalt  }
0x4b: {  	_ =	shalt  }
0x4c: {  	_ =	shalt  }
0x4d: {  	_ =	shalt  }
0x4e: {  	_ =	shalt  }
0x4f: {  	_ =	shalt  }
0x50: {  	_ =	shalt  }
0x51: {  	_ =	shalt  }
0x52: {  	_ =	shalt  }
0x53: {  	_ =	shalt  }
0x54: {  	_ =	shalt  }
0x55: {  	_ =	shalt  }
0x56: {  	_ =	shalt  }
0x57: {  	_ =	shalt  }
0x58: {  	_ =	shalt  }
0x59: {  	_ =	shalt  }
0x5a: {  	_ =	shalt  }
0x5b: {  	_ =	shalt  }
0x5c: {  	_ =	shalt  }
0x5d: {  	_ =	shalt  }
0x5e: {  	_ =	shalt  }
0x5f: {  	_ =	shalt  }
0x60: {  	_ =	shalt  }
0x61: {  	_ =	shalt  }
0x62: {  	_ =	shalt  }
0x63: {  	_ =	shalt  }
0x64: {  	_ =	shalt  }
0x65: {  	_ =	shalt  }
0x66: {  	_ =	shalt  }
0x67: {  	_ =	shalt  }
0x68: {  	_ =	shalt  }
0x69: {  	_ =	shalt  }
0x6a: {  	_ =	shalt  }
0x6b: {  	_ =	shalt  }
0x6c: {  	_ =	shalt  }
0x6d: {  	_ =	shalt  }
0x6e: {  	_ =	shalt  }
0x6f: {  	_ =	shalt  }
0x70: {  	_ =	shalt  }
0x71: {  	_ =	shalt  }
0x72: {  	_ =	shalt  }
0x73: {  	_ =	shalt  }
0x74: {  	_ =	shalt  }
0x75: {  	_ =	shalt  }
0x76: {  	_ =	shalt  }
0x77: {  	_ =	shalt  }
0x78: {  	_ =	shalt  }
0x79: {  	_ =	shalt  }
0x7a: {  	_ =	shalt  }
0x7b: {  	_ =	shalt  }
0x7c: {  	_ =	shalt  }
0x7d: {  	_ =	shalt  }
0x7e: {  	_ =	shalt  }
0x7f: {  	_ =	shalt  }
0x80: {  	_ =	shalt  }
0x81: {  	_ =	shalt  }
0x82: {  	_ =	shalt  }
0x83: {  	_ =	shalt  }
0x84: {  	_ =	shalt  }
0x85: {  	_ =	shalt  }
0x86: {  	_ =	shalt  }
0x87: {  	_ =	shalt  }
.Lfunc_end0:
.L_simem_size_0:
called_computation_lowered:
.L_overlay_start_0:
0x88: {  	s2 =	sld [smem:$0x3FD9]  }
0x89: {  	s3 =	sld [smem:$0x3FFE];
	_ =	sdelay $0x1  }
0x8a: {  	s1 =	srdreg.scid  }
0x8b: {  	s0 =	sand.u32 $0x1, s1  }
0x8c: {  	s17 =	sshll.u32 s0, $0xA;
	s2 =	sadd.s32 s3, s2  }
0x8d: {  	s2 =	sadd.s32 s2, s17  }
0x8e: {  	[smem:$0x3FC0] =	sst s2  }
0x8f: {  	_ = 	snop  }
0x90: {  	s2 =	sld [smem:$0x3FD0];
	(tm) =	ssettm $0x1  }
0x91: {  	s18 =	sld [smem:$0x3FFB];
	_ =	sdelay $0x3  }
0x92: {  	_ =	strace s18  }
0x93: {  	s3 =	sld [smem:$0x3FFC];
	_ =	sdelay $0x3  }
0x94: {  	_ =	strace s3  }
0x95: {  	s3 =	sld [smem:$0x3FFD];
	_ =	sdelay $0x3  }
0x96: {  	_ =	strace s3  }
0x97: {  	_ =	strace $0x8FFFFFFF  }
0x98: {  	s19 =	sld [smem:$0x3FDB];
	_ =	sdelay $0x1  }
0x99: {  	s4 =	simm.s32 $_scs_section_size  }
0x9a: {  	s5 =	simm.s32 $_size__tile_overlayer_lowered;
	s6 =	simm.s32 $_tile_overlayer_lowered  }
0x9b: {  	s22 =	simm.s32 $0x1BFF;
	s21 =	sshll.u32 s6, $0x1;
	s3 =	sadd.s32 s4, s19  }
0x9c: {  	s7 =	simm.s32 $0x0;
	s20 =	sshll.u32 s5, $0x1;
	s5 =	sadd.s32 s21, s3  }
0x9d: {  	[timem:s7], [sflag:s22] =	dma.local [hbm:s5], s20  }
0x9e: {  	_ =	swait.ge [sflag:s22], s20  }
0x9f: {  	s4 =	ssub.s32 $0x0, s20;
	[sflag:s22] =	ssyncset.done $0x0  }
0xa0: {  	[sflag:s22] =	ssyncadd.s32 s4;
	_ =	sdelay $0x1  }
0xa1: {  	s23 =	simm.s32 $0x1B8B  }
0xa2: {  	_ =	swait.ge [sflag:s23], $0x1  }
0xa3: {  	[sflag:s23] =	ssyncset.done $0x0  }
0xa4: {  	s25 =	simm.s32 $0x1B8E;
	s24 =	sld [smem:$0x3FFE];
	[sflag:s23] =	ssyncadd.s32 $0xFFFFFFFF  }
0xa5: {  	s26 =	simm.s32 $execute0_lowered;
	[smem:$0x3FD2] =	sst s25  }
0xa6: {  	s5 =	sshll.u32 s26, $0x1;
	_ =	strace $0x80000046;
	[dreg:$0x1] =	wrdreg $0xFFFFFFFF  }
0xa7: {  	s28 =	simm.s32 $_size_execute0_lowered;
	s3 =	sadd.s32 s3, s5;
	[dreg:$0x0] =	wrdreg $0x0  }
0xa8: {  	s5 =	sshll.u32 s28, $0x1;
	[dreg:$0x2] =	wrdreg s3  }
0xa9: {  	[dreg:$0x3] =	wrdreg s5  }
0xaa: {  	[dreg:$0x4] =	wrdreg $0xC0  }
0xab: {  	_ =	task [dreg:s7], $0x5FFFF  }
0xac: {  	[dreg:$0x1] =	wrdreg $0xFFFFFFFF  }
0xad: {  	[dreg:$0x0] =	wrdreg $0x60  }
0xae: {  	[dreg:$0x2] =	wrdreg s2  }
0xaf: {  	[dreg:$0x3] =	wrdreg s24  }
0xb0: {  	[dreg:$0x4] =	wrdreg $0x9  }
0xb1: {  	_ =	task.clear_ibuf [dreg:s7], $0x5FFFF;
	_ =	strace $0x90000046  }
0xb2: {  	s29 =	simm.s32 $0x9;
	_ =	strace $0x80000048  }
0xb3: {  	_ =	swait.ge [sflag:s29], $0x1  }
0xb4: {  	[sflag:s29] =	ssyncadd.s32 $0xFFFFFFFF  }
0xb5: {  	_ =	strace $0x90000048  }
0xb6: {  	_ =	sfence  }
0xb7: {  	s30 =	sld [smem:$0x0];
	_ =	sdelay $0x2  }
0xb8: {  	s31 =	sshll.u32 s1, $0xD;
	s1 =	sshrl.u32 s1, $0x2  }
0xb9: {  	s3 =	sand.u32 $0x4000, s31;
	s1 =	sadd.s32 s1, s30  }
0xba: {  	s0 =	sor.u32 s3, s0;
	s1 =	sshll.u32 s1, $0x11  }
0xbb: {  	s0 =	sor.u32 s1, s0  }
0xbc: {  	s0 =	sadd.s32 $0x8F2B, s0  }
0xbd: {  	[sflag:s0] =	ssyncadd.remote.s32 $0x1  }
0xbe: {  	_ =	sfence.sel $0xFFFF  }
0xbf: {  	[dreg:$0x0] =	wrdreg $0xFFFFFFFF;
	(pc) =	sbr.abs _section_cstart, $3  }
0xc0: {  	[dreg:$0x1] =	wrdreg $0xFFFFFFFF  }
0xc1: {  	_ =	task.clear_ibuf [dreg:s7], $0x2FFFF;
	_ =	strace $0x9FFFFFFF  }
0xc2: {  	(tm) =	ssettm $0x7FFFFFFF  }
0xc3: {  	_ =	shalt  }
tec
execute0_lowered:
.L_overlay_start_1:
0x0: {  	(tag) =	ssettag $0x1  }
0x1: {  	s0 =	rddreg [dreg:$0x0];
	s1 =	srdreg.scid  }
0x2: {  	s2 =	stileid.u32;
	s5 =	rddreg [dreg:$0x1]  }
0x3: {  	s9 =	simm.s32 $0x1;
	s23 =	simm.s32 $0x1A00;
	s28 =	simm.s32 $0x3A00  }
0x4: {  	s29 =	simm.s32 $0x4200;
	s30 =	simm.s32 $0x4A00;
	s31 =	simm.s32 $0x5200  }
0x5: {  	s14 =	simm.s32 $0x8A00;
	s15 =	simm.s32 $0x9200;
	s16 =	simm.s32 $0x9A00  }
0x6: {  	s17 =	simm.s32 $0xA200;
	s18 =	simm.s32 $0xAA00;
	s19 =	simm.s32 $0xB200  }
0x7: {  	s7 =	simm.s32 $0xBA00;
	s8 =	simm.s32 $0xC200;
	s11 =	simm.s32 $0xDA00  }
0x8: {  	s12 =	simm.s32 $0xE200;
	s13 =	simm.s32 $0xEA00;
	s21 =	simm.s32 $0xF200  }
0x9: {  	s22 =	simm.s32 $0xFA00;
	s1 =	sand.u32 $0x1, s1;
	s2 =	sshll.u32 s2, $0x1  }
0xa: {  	s3 =	sor.u32 s1, s2;
	s2 =	simm.s32 $0x0;
	s1 =	ssub.s32 $0x2, s1  }
0xb: {  	s4 =	sshll.u32 s3, $0x6;
	s3 =	sshll.u32 s3, $0xE;
	[smem:$0x7FF] =	sst s2  }
0xc: {  	s25 =	sshrl.u32 s1, $0x1;
	s4 =	sadd.s32 s4, s5;
	s3 =	sand.u32 $0x3C000, s3  }
0xd: {  	_ =	strace $0x80000047;
	s1 =	ssub.s32 s1, s25;
	s6 =	sadd.s32 $0x2600, s4  }
0xe: {  	s25 =	simm.s32 $0x3200;
	s3 =	sadd.s32 s0, s3;
	[dreg:$0x3] =	wrdreg s6  }
0xf: {  	s4 =	sadd.s32 $0x2E00, s5;
	s0 =	sadd.s32 $0x1000, s3;
	[dreg:$0x7] =	wrdreg s3  }
0x10: {  	v2 =	vlaneseq.u32;
	s5 =	sadd.s32 $0x2F00, s5;
	s24 =	sadd.s32 $0x2000, s3;
	[dreg:$0x4] =	wrdreg s0  }
0x11: {  	vm0 =	vmmov $0xffff;
	v1 =	vshrl.u32 v2, $0x3;
	s26 =	sadd.s32 $0x3000, s3;
	s6 =	smax.u32 s1, $0x1;
	[dreg:$0x5] =	wrdreg s24  }
0x12: {  	v0 =	vand.u32 $0x7, v2;
	v2 =	vor.u32 $0x8, v2;
	v1 =	vmul.u32 $0x8, v1;
	[dreg:$0x6] =	wrdreg s26;
	s26 =	simm.s32 $0x2;
	s24 =	simm.s32 $0x2200  }
.LBB2_1:
0x13: {  	s20 =	rddreg [dreg:$0x3];
	s0 =	simm.s32 $0x3  }
0x14: {  	[tilespmem:s2], [sflag:$0x3] =	stream.linear.gather [hbm4b:s20+s2], $0x200, $0x38;
	[tilespmem:$0x10200] =	vst v63  }
0x15: {  	_ =	swait.ge [sflag:s0], $0x200  }
0x16: {  	[sflag:s0] =	ssyncset.done $0x0  }
0x17: {  	s10 =	simm.s32 $0x200;
	s3 =	rddreg [dreg:$0x7];
	[sflag:s0] =	ssyncadd.s32 $0xFFFFFE00  }
0x18: {  	[tilespmem:s10], [sflag:$0x1] =	stream.linear.gather [hbm4b:s3+s2], $0x8000, $0x38;
	[tilespmem:$0x10200] =	vst v63  }
0x19: {  	_ =	swait.ge [sflag:s9], $0x8000  }
0x1a: {  	[sflag:s9] =	ssyncset.done $0x0  }
0x1b: {  	s0 =	simm.s32 $0x8200;
	s3 =	rddreg [dreg:$0x4];
	[sflag:s9] =	ssyncadd.s32 $0xFFFF8000  }
0x1c: {  	[tilespmem:s0], [sflag:$0x1] =	stream.linear.gather [hbm4b:s3+s2], $0x8000, $0x38;
	[tilespmem:$0x10200] =	vst v63  }
0x1d: {  	v3 =	vld [tilespmem:$0x0];
	_ =	sdelay $0x4  }
0x1e: {  	v4 =	vshll.u32 v3, $0x2  }
0x1f: {  	v3 =	vand.u32 $0x7, v3;
	v4 =	vand.u32 $0xFFFFFFE0, v4  }
0x20: {  	v3 =	vor.u32 v3, v4  }
0x21: {  	v4 =	vperm.xlane v3, v0;
	_ =	sdelay $0x1  }
0x22: {  	v4 =	vadd.s32 v1, v4;
	_ =	sdelay $0x1  }
0x23: {  	v3 =	vperm.xlane v3, v2;
	_ =	sdelay $0x1  }
0x24: {  	v3 =	vadd.s32 v1, v3  }
0x25: {  	[hbm4b:s4+s2] =	stream.indirect_vreg.scatter [tilespmem:s10], [sflag:$0x2], $0x80, v4, vm0, $0xb8;
	[tilespmem:$0x10200] =	vst v63  }
0x26: {  	s1 =	simm.s32 $0xA00  }
0x27: {  	[hbm4b:s5+s2] =	stream.indirect_vreg.scatter [tilespmem:s1], [sflag:$0x2], $0x80, v4, vm0, $0xb8;
	[tilespmem:$0x10200] =	vst v63  }
0x28: {  	s20 =	simm.s32 $0x1200  }
0x29: {  	[hbm4b:s4+s2] =	stream.indirect_vreg.scatter [tilespmem:s20], [sflag:$0x2], $0x80, v3, vm0, $0xb8;
	[tilespmem:$0x10200] =	vst v63  }
0x2a: {  	_ = 	snop  }
0x2b: {  	[hbm4b:s5+s2] =	stream.indirect_vreg.scatter [tilespmem:s23], [sflag:$0x2], $0x80, v3, vm0, $0xb8;
	[tilespmem:$0x10200] =	vst v63  }
0x2c: {  	v3 =	vld [tilespmem:$0x10];
	_ =	sdelay $0x4  }
0x2d: {  	v49 =	vshll.u32 v3, $0x2  }
0x2e: {  	v3 =	vand.u32 $0x7, v3;
	v4 =	vand.u32 $0xFFFFFFE0, v49  }
0x2f: {  	v3 =	vor.u32 v3, v4  }
0x30: {  	v4 =	vperm.xlane v3, v0;
	_ =	sdelay $0x1  }
0x31: {  	v4 =	vadd.s32 v1, v4;
	_ =	sdelay $0x1  }
0x32: {  	v3 =	vperm.xlane v3, v2;
	_ =	sdelay $0x1  }
0x33: {  	v3 =	vadd.s32 v1, v3  }
0x34: {  	[hbm4b:s4+s2] =	stream.indirect_vreg.scatter [tilespmem:s24], [sflag:$0x2], $0x80, v4, vm0, $0xb8;
	[tilespmem:$0x10200] =	vst v63  }
0x35: {  	s3 =	simm.s32 $0x2A00  }
0x36: {  	[hbm4b:s5+s2] =	stream.indirect_vreg.scatter [tilespmem:s3], [sflag:$0x2], $0x80, v4, vm0, $0xb8;
	[tilespmem:$0x10200] =	vst v63  }
0x37: {  	_ = 	snop  }
0x38: {  	[hbm4b:s4+s2] =	stream.indirect_vreg.scatter [tilespmem:s25], [sflag:$0x2], $0x80, v3, vm0, $0xb8;
	[tilespmem:$0x10200] =	vst v63  }
0x39: {  	_ = 	snop  }
0x3a: {  	[hbm4b:s5+s2] =	stream.indirect_vreg.scatter [tilespmem:s28], [sflag:$0x2], $0x80, v3, vm0, $0xb8;
	[tilespmem:$0x10200] =	vst v63  }
0x3b: {  	v3 =	vld [tilespmem:$0x20];
	_ =	sdelay $0x4  }
0x3c: {  	v50 =	vshll.u32 v3, $0x2  }
0x3d: {  	v3 =	vand.u32 $0x7, v3;
	v4 =	vand.u32 $0xFFFFFFE0, v50  }
0x3e: {  	v3 =	vor.u32 v3, v4  }
0x3f: {  	v4 =	vperm.xlane v3, v0;
	_ =	sdelay $0x1  }
0x40: {  	v4 =	vadd.s32 v1, v4;
	_ =	sdelay $0x1  }
0x41: {  	v3 =	vperm.xlane v3, v2;
	_ =	sdelay $0x1  }
0x42: {  	v3 =	vadd.s32 v1, v3  }
0x43: {  	[hbm4b:s4+s2] =	stream.indirect_vreg.scatter [tilespmem:s29], [sflag:$0x2], $0x80, v4, vm0, $0xb8;
	[tilespmem:$0x10200] =	vst v63  }
0x44: {  	_ = 	snop  }
0x45: {  	[hbm4b:s5+s2] =	stream.indirect_vreg.scatter [tilespmem:s30], [sflag:$0x2], $0x80, v4, vm0, $0xb8;
	[tilespmem:$0x10200] =	vst v63  }
0x46: {  	_ = 	snop  }
0x47: {  	[hbm4b:s4+s2] =	stream.indirect_vreg.scatter [tilespmem:s31], [sflag:$0x2], $0x80, v3, vm0, $0xb8;
	[tilespmem:$0x10200] =	vst v63  }
0x48: {  	s20 =	simm.s32 $0x5A00  }
0x49: {  	[hbm4b:s5+s2] =	stream.indirect_vreg.scatter [tilespmem:s20], [sflag:$0x2], $0x80, v3, vm0, $0xb8;
	[tilespmem:$0x10200] =	vst v63  }
0x4a: {  	v3 =	vld [tilespmem:$0x30];
	_ =	sdelay $0x4  }
0x4b: {  	v51 =	vshll.u32 v3, $0x2  }
0x4c: {  	v3 =	vand.u32 $0x7, v3;
	v4 =	vand.u32 $0xFFFFFFE0, v51  }
0x4d: {  	v3 =	vor.u32 v3, v4  }
0x4e: {  	v4 =	vperm.xlane v3, v0;
	_ =	sdelay $0x1  }
0x4f: {  	v4 =	vadd.s32 v1, v4;
	_ =	sdelay $0x1  }
0x50: {  	v3 =	vperm.xlane v3, v2;
	_ =	sdelay $0x1  }
0x51: {  	s3 =	simm.s32 $0x6200;
	v3 =	vadd.s32 v1, v3  }
0x52: {  	[hbm4b:s4+s2] =	stream.indirect_vreg.scatter [tilespmem:s3], [sflag:$0x2], $0x80, v4, vm0, $0xb8;
	[tilespmem:$0x10200] =	vst v63  }
0x53: {  	s20 =	simm.s32 $0x6A00  }
0x54: {  	[hbm4b:s5+s2] =	stream.indirect_vreg.scatter [tilespmem:s20], [sflag:$0x2], $0x80, v4, vm0, $0xb8;
	[tilespmem:$0x10200] =	vst v63  }
0x55: {  	s3 =	simm.s32 $0x7200  }
0x56: {  	[hbm4b:s4+s2] =	stream.indirect_vreg.scatter [tilespmem:s3], [sflag:$0x2], $0x80, v3, vm0, $0xb8;
	[tilespmem:$0x10200] =	vst v63  }
0x57: {  	s20 =	simm.s32 $0x7A00  }
0x58: {  	[hbm4b:s5+s2] =	stream.indirect_vreg.scatter [tilespmem:s20], [sflag:$0x2], $0x80, v3, vm0, $0xb8;
	[tilespmem:$0x10200] =	vst v63  }
0x59: {  	_ =	swait.ge [sflag:s9], $0x8000  }
0x5a: {  	[sflag:s9] =	ssyncset.done $0x0  }
0x5b: {  	[sflag:s9] =	ssyncadd.s32 $0xFFFF8000  }
0x5c: {  	_ =	swait.ge [sflag:s26], $0x8000  }
0x5d: {  	[sflag:s26] =	ssyncset.done $0x0  }
0x5e: {  	s3 =	rddreg [dreg:$0x5];
	[sflag:s26] =	ssyncadd.s32 $0xFFFF8000  }
0x5f: {  	[tilespmem:s10], [sflag:$0x1] =	stream.linear.gather [hbm4b:s3+s2], $0x8000, $0x38;
	[tilespmem:$0x10200] =	vst v63  }
0x60: {  	v3 =	vld [tilespmem:$0x80];
	_ =	sdelay $0x4  }
0x61: {  	v52 =	vshll.u32 v3, $0x2  }
0x62: {  	v3 =	vand.u32 $0x7, v3;
	v4 =	vand.u32 $0xFFFFFFE0, v52  }
0x63: {  	v3 =	vor.u32 v3, v4  }
0x64: {  	v4 =	vperm.xlane v3, v0;
	_ =	sdelay $0x1  }
0x65: {  	v4 =	vadd.s32 v1, v4;
	_ =	sdelay $0x1  }
0x66: {  	v3 =	vperm.xlane v3, v2;
	_ =	sdelay $0x1  }
0x67: {  	v3 =	vadd.s32 v1, v3  }
0x68: {  	[hbm4b:s4+s2] =	stream.indirect_vreg.scatter [tilespmem:s0], [sflag:$0x2], $0x80, v4, vm0, $0xb8;
	[tilespmem:$0x10200] =	vst v63  }
0x69: {  	_ = 	snop  }
0x6a: {  	[hbm4b:s5+s2] =	stream.indirect_vreg.scatter [tilespmem:s14], [sflag:$0x2], $0x80, v4, vm0, $0xb8;
	[tilespmem:$0x10200] =	vst v63  }
0x6b: {  	_ = 	snop  }
0x6c: {  	[hbm4b:s4+s2] =	stream.indirect_vreg.scatter [tilespmem:s15], [sflag:$0x2], $0x80, v3, vm0, $0xb8;
	[tilespmem:$0x10200] =	vst v63  }
0x6d: {  	_ = 	snop  }
0x6e: {  	[hbm4b:s5+s2] =	stream.indirect_vreg.scatter [tilespmem:s16], [sflag:$0x2], $0x80, v3, vm0, $0xb8;
	[tilespmem:$0x10200] =	vst v63  }
0x6f: {  	v3 =	vld [tilespmem:$0x90];
	_ =	sdelay $0x4  }
0x70: {  	v53 =	vshll.u32 v3, $0x2  }
0x71: {  	v3 =	vand.u32 $0x7, v3;
	v4 =	vand.u32 $0xFFFFFFE0, v53  }
0x72: {  	v3 =	vor.u32 v3, v4  }
0x73: {  	v4 =	vperm.xlane v3, v0;
	_ =	sdelay $0x1  }
0x74: {  	v4 =	vadd.s32 v1, v4;
	_ =	sdelay $0x1  }
0x75: {  	v3 =	vperm.xlane v3, v2;
	_ =	sdelay $0x1  }
0x76: {  	v3 =	vadd.s32 v1, v3  }
0x77: {  	[hbm4b:s4+s2] =	stream.indirect_vreg.scatter [tilespmem:s17], [sflag:$0x2], $0x80, v4, vm0, $0xb8;
	[tilespmem:$0x10200] =	vst v63  }
0x78: {  	_ = 	snop  }
0x79: {  	[hbm4b:s5+s2] =	stream.indirect_vreg.scatter [tilespmem:s18], [sflag:$0x2], $0x80, v4, vm0, $0xb8;
	[tilespmem:$0x10200] =	vst v63  }
0x7a: {  	_ = 	snop  }
0x7b: {  	[hbm4b:s4+s2] =	stream.indirect_vreg.scatter [tilespmem:s19], [sflag:$0x2], $0x80, v3, vm0, $0xb8;
	[tilespmem:$0x10200] =	vst v63  }
0x7c: {  	_ = 	snop  }
0x7d: {  	[hbm4b:s5+s2] =	stream.indirect_vreg.scatter [tilespmem:s7], [sflag:$0x2], $0x80, v3, vm0, $0xb8;
	[tilespmem:$0x10200] =	vst v63  }
0x7e: {  	v3 =	vld [tilespmem:$0xA0];
	_ =	sdelay $0x4  }
0x7f: {  	v54 =	vshll.u32 v3, $0x2  }
0x80: {  	v3 =	vand.u32 $0x7, v3;
	v4 =	vand.u32 $0xFFFFFFE0, v54  }
0x81: {  	v3 =	vor.u32 v3, v4  }
0x82: {  	v4 =	vperm.xlane v3, v0;
	_ =	sdelay $0x1  }
0x83: {  	v4 =	vadd.s32 v1, v4;
	_ =	sdelay $0x1  }
0x84: {  	v3 =	vperm.xlane v3, v2;
	_ =	sdelay $0x1  }
0x85: {  	v3 =	vadd.s32 v1, v3  }
0x86: {  	[hbm4b:s4+s2] =	stream.indirect_vreg.scatter [tilespmem:s8], [sflag:$0x2], $0x80, v4, vm0, $0xb8;
	[tilespmem:$0x10200] =	vst v63  }
0x87: {  	s1 =	simm.s32 $0xCA00  }
0x88: {  	[hbm4b:s5+s2] =	stream.indirect_vreg.scatter [tilespmem:s1], [sflag:$0x2], $0x80, v4, vm0, $0xb8;
	[tilespmem:$0x10200] =	vst v63  }
0x89: {  	s3 =	simm.s32 $0xD200  }
0x8a: {  	[hbm4b:s4+s2] =	stream.indirect_vreg.scatter [tilespmem:s3], [sflag:$0x2], $0x80, v3, vm0, $0xb8;
	[tilespmem:$0x10200] =	vst v63  }
0x8b: {  	_ = 	snop  }
0x8c: {  	[hbm4b:s5+s2] =	stream.indirect_vreg.scatter [tilespmem:s11], [sflag:$0x2], $0x80, v3, vm0, $0xb8;
	[tilespmem:$0x10200] =	vst v63  }
0x8d: {  	v3 =	vld [tilespmem:$0xB0];
	_ =	sdelay $0x4  }
0x8e: {  	v55 =	vshll.u32 v3, $0x2  }
0x8f: {  	v3 =	vand.u32 $0x7, v3;
	v4 =	vand.u32 $0xFFFFFFE0, v55  }
0x90: {  	v3 =	vor.u32 v3, v4  }
0x91: {  	v4 =	vperm.xlane v3, v0;
	_ =	sdelay $0x1  }
0x92: {  	v4 =	vadd.s32 v1, v4;
	_ =	sdelay $0x1  }
0x93: {  	v3 =	vperm.xlane v3, v2;
	_ =	sdelay $0x1  }
0x94: {  	v3 =	vadd.s32 v1, v3  }
0x95: {  	[hbm4b:s4+s2] =	stream.indirect_vreg.scatter [tilespmem:s12], [sflag:$0x2], $0x80, v4, vm0, $0xb8;
	[tilespmem:$0x10200] =	vst v63  }
0x96: {  	_ = 	snop  }
0x97: {  	[hbm4b:s5+s2] =	stream.indirect_vreg.scatter [tilespmem:s13], [sflag:$0x2], $0x80, v4, vm0, $0xb8;
	[tilespmem:$0x10200] =	vst v63  }
0x98: {  	_ = 	snop  }
0x99: {  	[hbm4b:s4+s2] =	stream.indirect_vreg.scatter [tilespmem:s21], [sflag:$0x2], $0x80, v3, vm0, $0xb8;
	[tilespmem:$0x10200] =	vst v63  }
0x9a: {  	_ = 	snop  }
0x9b: {  	[hbm4b:s5+s2] =	stream.indirect_vreg.scatter [tilespmem:s22], [sflag:$0x2], $0x80, v3, vm0, $0xb8;
	[tilespmem:$0x10200] =	vst v63  }
0x9c: {  	_ =	swait.ge [sflag:s9], $0x8000  }
0x9d: {  	[sflag:s9] =	ssyncset.done $0x0  }
0x9e: {  	[sflag:s9] =	ssyncadd.s32 $0xFFFF8000  }
0x9f: {  	_ =	swait.ge [sflag:s26], $0x8000  }
0xa0: {  	[sflag:s26] =	ssyncset.done $0x0  }
0xa1: {  	s20 =	rddreg [dreg:$0x6];
	[sflag:s26] =	ssyncadd.s32 $0xFFFF8000  }
0xa2: {  	[tilespmem:s0], [sflag:$0x1] =	stream.linear.gather [hbm4b:s20+s2], $0x8000, $0x38;
	[tilespmem:$0x10200] =	vst v63  }
0xa3: {  	v3 =	vld [tilespmem:$0x100];
	_ =	sdelay $0x4  }
0xa4: {  	v56 =	vshll.u32 v3, $0x2  }
0xa5: {  	v3 =	vand.u32 $0x7, v3;
	v4 =	vand.u32 $0xFFFFFFE0, v56  }
0xa6: {  	v3 =	vor.u32 v3, v4  }
0xa7: {  	v4 =	vperm.xlane v3, v0;
	_ =	sdelay $0x1  }
0xa8: {  	v4 =	vadd.s32 v1, v4;
	_ =	sdelay $0x1  }
0xa9: {  	v3 =	vperm.xlane v3, v2;
	_ =	sdelay $0x1  }
0xaa: {  	v3 =	vadd.s32 v1, v3  }
0xab: {  	[hbm4b:s4+s2] =	stream.indirect_vreg.scatter [tilespmem:s10], [sflag:$0x2], $0x80, v4, vm0, $0xb8;
	[tilespmem:$0x10200] =	vst v63  }
0xac: {  	s20 =	simm.s32 $0xA00  }
0xad: {  	[hbm4b:s5+s2] =	stream.indirect_vreg.scatter [tilespmem:s20], [sflag:$0x2], $0x80, v4, vm0, $0xb8;
	[tilespmem:$0x10200] =	vst v63  }
0xae: {  	s20 =	simm.s32 $0x1200  }
0xaf: {  	[hbm4b:s4+s2] =	stream.indirect_vreg.scatter [tilespmem:s20], [sflag:$0x2], $0x80, v3, vm0, $0xb8;
	[tilespmem:$0x10200] =	vst v63  }
0xb0: {  	_ = 	snop  }
0xb1: {  	[hbm4b:s5+s2] =	stream.indirect_vreg.scatter [tilespmem:s23], [sflag:$0x2], $0x80, v3, vm0, $0xb8;
	[tilespmem:$0x10200] =	vst v63  }
0xb2: {  	v3 =	vld [tilespmem:$0x110];
	_ =	sdelay $0x4  }
0xb3: {  	v57 =	vshll.u32 v3, $0x2  }
0xb4: {  	v3 =	vand.u32 $0x7, v3;
	v4 =	vand.u32 $0xFFFFFFE0, v57  }
0xb5: {  	v3 =	vor.u32 v3, v4  }
0xb6: {  	v4 =	vperm.xlane v3, v0;
	_ =	sdelay $0x1  }
0xb7: {  	v4 =	vadd.s32 v1, v4;
	_ =	sdelay $0x1  }
0xb8: {  	v3 =	vperm.xlane v3, v2;
	_ =	sdelay $0x1  }
0xb9: {  	v3 =	vadd.s32 v1, v3  }
0xba: {  	[hbm4b:s4+s2] =	stream.indirect_vreg.scatter [tilespmem:s24], [sflag:$0x2], $0x80, v4, vm0, $0xb8;
	[tilespmem:$0x10200] =	vst v63  }
0xbb: {  	s20 =	simm.s32 $0x2A00  }
0xbc: {  	[hbm4b:s5+s2] =	stream.indirect_vreg.scatter [tilespmem:s20], [sflag:$0x2], $0x80, v4, vm0, $0xb8;
	[tilespmem:$0x10200] =	vst v63  }
0xbd: {  	_ = 	snop  }
0xbe: {  	[hbm4b:s4+s2] =	stream.indirect_vreg.scatter [tilespmem:s25], [sflag:$0x2], $0x80, v3, vm0, $0xb8;
	[tilespmem:$0x10200] =	vst v63  }
0xbf: {  	_ = 	snop  }
0xc0: {  	[hbm4b:s5+s2] =	stream.indirect_vreg.scatter [tilespmem:s28], [sflag:$0x2], $0x80, v3, vm0, $0xb8;
	[tilespmem:$0x10200] =	vst v63  }
0xc1: {  	v3 =	vld [tilespmem:$0x120];
	_ =	sdelay $0x4  }
0xc2: {  	v58 =	vshll.u32 v3, $0x2  }
0xc3: {  	v3 =	vand.u32 $0x7, v3;
	v4 =	vand.u32 $0xFFFFFFE0, v58  }
0xc4: {  	v3 =	vor.u32 v3, v4  }
0xc5: {  	v4 =	vperm.xlane v3, v0;
	_ =	sdelay $0x1  }
0xc6: {  	v4 =	vadd.s32 v1, v4;
	_ =	sdelay $0x1  }
0xc7: {  	v3 =	vperm.xlane v3, v2;
	_ =	sdelay $0x1  }
0xc8: {  	v3 =	vadd.s32 v1, v3  }
0xc9: {  	[hbm4b:s4+s2] =	stream.indirect_vreg.scatter [tilespmem:s29], [sflag:$0x2], $0x80, v4, vm0, $0xb8;
	[tilespmem:$0x10200] =	vst v63  }
0xca: {  	_ = 	snop  }
0xcb: {  	[hbm4b:s5+s2] =	stream.indirect_vreg.scatter [tilespmem:s30], [sflag:$0x2], $0x80, v4, vm0, $0xb8;
	[tilespmem:$0x10200] =	vst v63  }
0xcc: {  	_ = 	snop  }
0xcd: {  	[hbm4b:s4+s2] =	stream.indirect_vreg.scatter [tilespmem:s31], [sflag:$0x2], $0x80, v3, vm0, $0xb8;
	[tilespmem:$0x10200] =	vst v63  }
0xce: {  	s20 =	simm.s32 $0x5A00  }
0xcf: {  	[hbm4b:s5+s2] =	stream.indirect_vreg.scatter [tilespmem:s20], [sflag:$0x2], $0x80, v3, vm0, $0xb8;
	[tilespmem:$0x10200] =	vst v63  }
0xd0: {  	v3 =	vld [tilespmem:$0x130];
	_ =	sdelay $0x4  }
0xd1: {  	v59 =	vshll.u32 v3, $0x2  }
0xd2: {  	v3 =	vand.u32 $0x7, v3;
	v4 =	vand.u32 $0xFFFFFFE0, v59  }
0xd3: {  	v3 =	vor.u32 v3, v4  }
0xd4: {  	v4 =	vperm.xlane v3, v0;
	_ =	sdelay $0x1  }
0xd5: {  	v4 =	vadd.s32 v1, v4;
	_ =	sdelay $0x1  }
0xd6: {  	v3 =	vperm.xlane v3, v2;
	_ =	sdelay $0x1  }
0xd7: {  	s20 =	simm.s32 $0x6200;
	v3 =	vadd.s32 v1, v3  }
0xd8: {  	[hbm4b:s4+s2] =	stream.indirect_vreg.scatter [tilespmem:s20], [sflag:$0x2], $0x80, v4, vm0, $0xb8;
	[tilespmem:$0x10200] =	vst v63  }
0xd9: {  	s20 =	simm.s32 $0x6A00  }
0xda: {  	[hbm4b:s5+s2] =	stream.indirect_vreg.scatter [tilespmem:s20], [sflag:$0x2], $0x80, v4, vm0, $0xb8;
	[tilespmem:$0x10200] =	vst v63  }
0xdb: {  	s20 =	simm.s32 $0x7200  }
0xdc: {  	[hbm4b:s4+s2] =	stream.indirect_vreg.scatter [tilespmem:s20], [sflag:$0x2], $0x80, v3, vm0, $0xb8;
	[tilespmem:$0x10200] =	vst v63  }
0xdd: {  	s20 =	simm.s32 $0x7A00  }
0xde: {  	[hbm4b:s5+s2] =	stream.indirect_vreg.scatter [tilespmem:s20], [sflag:$0x2], $0x80, v3, vm0, $0xb8;
	[tilespmem:$0x10200] =	vst v63  }
0xdf: {  	_ =	swait.ge [sflag:s9], $0x8000  }
0xe0: {  	[sflag:s9] =	ssyncset.done $0x0  }
0xe1: {  	[sflag:s9] =	ssyncadd.s32 $0xFFFF8000  }
0xe2: {  	v3 =	vld [tilespmem:$0x180];
	_ =	sdelay $0x4  }
0xe3: {  	v60 =	vshll.u32 v3, $0x2  }
0xe4: {  	v3 =	vand.u32 $0x7, v3;
	v4 =	vand.u32 $0xFFFFFFE0, v60  }
0xe5: {  	v3 =	vor.u32 v3, v4  }
0xe6: {  	v4 =	vperm.xlane v3, v0;
	_ =	sdelay $0x1  }
0xe7: {  	v4 =	vadd.s32 v1, v4;
	_ =	sdelay $0x1  }
0xe8: {  	v3 =	vperm.xlane v3, v2;
	_ =	sdelay $0x1  }
0xe9: {  	v3 =	vadd.s32 v1, v3  }
0xea: {  	[hbm4b:s4+s2] =	stream.indirect_vreg.scatter [tilespmem:s0], [sflag:$0x2], $0x80, v4, vm0, $0xb8;
	[tilespmem:$0x10200] =	vst v63  }
0xeb: {  	_ = 	snop  }
0xec: {  	[hbm4b:s5+s2] =	stream.indirect_vreg.scatter [tilespmem:s14], [sflag:$0x2], $0x80, v4, vm0, $0xb8;
	[tilespmem:$0x10200] =	vst v63  }
0xed: {  	_ = 	snop  }
0xee: {  	[hbm4b:s4+s2] =	stream.indirect_vreg.scatter [tilespmem:s15], [sflag:$0x2], $0x80, v3, vm0, $0xb8;
	[tilespmem:$0x10200] =	vst v63  }
0xef: {  	_ = 	snop  }
0xf0: {  	[hbm4b:s5+s2] =	stream.indirect_vreg.scatter [tilespmem:s16], [sflag:$0x2], $0x80, v3, vm0, $0xb8;
	[tilespmem:$0x10200] =	vst v63  }
0xf1: {  	v3 =	vld [tilespmem:$0x190];
	_ =	sdelay $0x4  }
0xf2: {  	v61 =	vshll.u32 v3, $0x2  }
0xf3: {  	v3 =	vand.u32 $0x7, v3;
	v4 =	vand.u32 $0xFFFFFFE0, v61  }
0xf4: {  	v3 =	vor.u32 v3, v4  }
0xf5: {  	v4 =	vperm.xlane v3, v0;
	_ =	sdelay $0x1  }
0xf6: {  	v4 =	vadd.s32 v1, v4;
	_ =	sdelay $0x1  }
0xf7: {  	v3 =	vperm.xlane v3, v2;
	_ =	sdelay $0x1  }
0xf8: {  	v3 =	vadd.s32 v1, v3  }
0xf9: {  	[hbm4b:s4+s2] =	stream.indirect_vreg.scatter [tilespmem:s17], [sflag:$0x2], $0x80, v4, vm0, $0xb8;
	[tilespmem:$0x10200] =	vst v63  }
0xfa: {  	_ = 	snop  }
0xfb: {  	[hbm4b:s5+s2] =	stream.indirect_vreg.scatter [tilespmem:s18], [sflag:$0x2], $0x80, v4, vm0, $0xb8;
	[tilespmem:$0x10200] =	vst v63  }
0xfc: {  	_ = 	snop  }
0xfd: {  	[hbm4b:s4+s2] =	stream.indirect_vreg.scatter [tilespmem:s19], [sflag:$0x2], $0x80, v3, vm0, $0xb8;
	[tilespmem:$0x10200] =	vst v63  }
0xfe: {  	_ = 	snop  }
0xff: {  	[hbm4b:s5+s2] =	stream.indirect_vreg.scatter [tilespmem:s7], [sflag:$0x2], $0x80, v3, vm0, $0xb8;
	[tilespmem:$0x10200] =	vst v63  }
0x100: {  	v3 =	vld [tilespmem:$0x1A0];
	_ =	sdelay $0x4  }
0x101: {  	v62 =	vshll.u32 v3, $0x2  }
0x102: {  	v3 =	vand.u32 $0x7, v3;
	v4 =	vand.u32 $0xFFFFFFE0, v62  }
0x103: {  	v3 =	vor.u32 v3, v4  }
0x104: {  	v4 =	vperm.xlane v3, v0;
	_ =	sdelay $0x1  }
0x105: {  	v4 =	vadd.s32 v1, v4;
	_ =	sdelay $0x1  }
0x106: {  	v3 =	vperm.xlane v3, v2;
	_ =	sdelay $0x1  }
0x107: {  	v3 =	vadd.s32 v1, v3  }
0x108: {  	[hbm4b:s4+s2] =	stream.indirect_vreg.scatter [tilespmem:s8], [sflag:$0x2], $0x80, v4, vm0, $0xb8;
	[tilespmem:$0x10200] =	vst v63  }
0x109: {  	_ = 	snop  }
0x10a: {  	[hbm4b:s5+s2] =	stream.indirect_vreg.scatter [tilespmem:s1], [sflag:$0x2], $0x80, v4, vm0, $0xb8;
	[tilespmem:$0x10200] =	vst v63  }
0x10b: {  	_ = 	snop  }
0x10c: {  	[hbm4b:s4+s2] =	stream.indirect_vreg.scatter [tilespmem:s3], [sflag:$0x2], $0x80, v3, vm0, $0xb8;
	[tilespmem:$0x10200] =	vst v63  }
0x10d: {  	_ = 	snop  }
0x10e: {  	[hbm4b:s5+s2] =	stream.indirect_vreg.scatter [tilespmem:s11], [sflag:$0x2], $0x80, v3, vm0, $0xb8;
	[tilespmem:$0x10200] =	vst v63  }
0x10f: {  	v3 =	vld [tilespmem:$0x1B0];
	_ =	sdelay $0x4  }
0x110: {  	v63 =	vshll.u32 v3, $0x2  }
0x111: {  	v3 =	vand.u32 $0x7, v3;
	v4 =	vand.u32 $0xFFFFFFE0, v63  }
0x112: {  	v3 =	vor.u32 v3, v4  }
0x113: {  	v4 =	vperm.xlane v3, v0;
	_ =	sdelay $0x1  }
0x114: {  	v4 =	vadd.s32 v1, v4;
	_ =	sdelay $0x1  }
0x115: {  	v3 =	vperm.xlane v3, v2;
	_ =	sdelay $0x1  }
0x116: {  	v3 =	vadd.s32 v1, v3  }
0x117: {  	[hbm4b:s4+s2] =	stream.indirect_vreg.scatter [tilespmem:s12], [sflag:$0x2], $0x80, v4, vm0, $0xb8;
	[tilespmem:$0x10200] =	vst v63  }
0x118: {  	_ = 	snop  }
0x119: {  	[hbm4b:s5+s2] =	stream.indirect_vreg.scatter [tilespmem:s13], [sflag:$0x2], $0x80, v4, vm0, $0xb8;
	[tilespmem:$0x10200] =	vst v63  }
0x11a: {  	_ = 	snop  }
0x11b: {  	[hbm4b:s4+s2] =	stream.indirect_vreg.scatter [tilespmem:s21], [sflag:$0x2], $0x80, v3, vm0, $0xb8;
	[tilespmem:$0x10200] =	vst v63  }
0x11c: {  	_ = 	snop  }
0x11d: {  	[hbm4b:s5+s2] =	stream.indirect_vreg.scatter [tilespmem:s22], [sflag:$0x2], $0x80, v3, vm0, $0xb8;
	[tilespmem:$0x10200] =	vst v63  }
0x11e: {  	p0 =	sne.s32 s6, $0x1;
	_ =	swait.ge [sflag:s26], $0x8000  }
.Ltmp0:
0x11f: {  	[sflag:s26] =	ssyncset.done $0x0;
	(pc) =	sbr.rel @p0 .LBB2_1-.Ltmp0, $4  }
0x120: {  	[sflag:s26] =	ssyncadd.s32 $0xFFFF8000  }
0x121: {  	_ =	swait.ge [sflag:s26], $0x8000  }
0x122: {  	[sflag:s26] =	ssyncset.done $0x0  }
0x123: {  	s6 =	sadd.s32 $0xFFFFFFFF, s6;
	[sflag:s26] =	ssyncadd.s32 $0xFFFF8000  }
0x124: {  	_ =	sfence.sel $0x180000  }
0x125: {  	[bflag:$0x0] =	sbarrier.arrive $0xFFFF  }
0x126: {  	_ =	strace $0x90000047  }
0x127: {  	s0 =	stileid.u32;
	[bflag:$0x2] =	sbarrier.arrive $0xFFFF  }
0x128: {  	p0 =	sne.s32 s0, $0x0;
	s0 =	rddreg [dreg:$0x2]  }
0x129: {  	s0 =	sadd.s32 @!p0 $0x100000, s0  }
0x12a: {  	[sflag:s0] =	ssyncadd.tile.s32 @!p0 $0x1;
	_ =	shalt  }
.Lfunc_end2:
_tile_overlayer_lowered:
.L_overlay_start_2:
0x12b: {  	(tag) =	ssettag $0x2  }
0x12c: {  	s0 =	rddreg [dreg:$0x0];
	s2 =	stileid.u32  }
0x12d: {  	s1 =	rddreg [dreg:$0x1];
	p0 =	sne.s32 s2, $0x0  }
0x12e: {  	s3 =	rddreg [dreg:$0x2];
	[bflag:$0x3] =	sbarrier.arrive $0xFFFF;
	s2 =	simm.s32 @!p0 $0x1C03  }
0x12f: {  	[timem:s3], [sflag:s2] =	dma.local @!p0 [hbm:s0], s1  }
0x130: {  	s0 =	simm.s32 @!p0 $0x3  }
0x131: {  	_ =	swait.ge @!p0 [sflag:s0], s1  }
0x132: {  	s1 =	ssub.s32 @!p0 $0x0, s1;
	[sflag:s0] =	ssyncset.done @!p0 $0x0  }
0x133: {  	[sflag:s0] =	ssyncadd.s32 @!p0 s1  }
0x134: {  	[bflag:$0x3] =	sbarrier.arrive $0xFFFF  }
0x135: {  	_ =	shalt  }

</sc_bundles>
